<compile_context>
chip_gen: v7x
topology: tpu7x:2x2x1
jax: 0.10.2.dev20260603
libtpu: 0.0.44.dev20260713+nightly
codegen_flags: <defaults>
</compile_context>

<pallas_src>
import functools

import jax
import jax.numpy as jnp
from jax import lax
from jax.experimental import pallas as pl
from jax.experimental.pallas import tpu as pltpu
from jax.experimental.pallas import tpu_sc as plsc


def _softplus(x):
    return jnp.maximum(x, 0.0) + jnp.log1p(jnp.exp(-jnp.abs(x)))


_GATHER_K = 1


def _sc_gather(table, idx2d):
    window = 128
    R = idx2d.shape[0]
    D = table.shape[1]
    n_workers = 32
    K = _GATHER_K
    steps = R // (n_workers * K)
    mesh = plsc.VectorSubcoreMesh(core_axis_name="c", subcore_axis_name="s")

    @functools.partial(
        pl.kernel,
        out_type=jax.ShapeDtypeStruct((R * window, D), table.dtype),
        mesh=mesh,
    )
    def gather_kernel(tab_hbm, idx_hbm, out_hbm):
        def body(idx_vmem, out_vmem):
            for k in range(K):
                pltpu.sync_copy(tab_hbm.at[idx_vmem.at[k]],
                                out_vmem.at[pl.ds(k * window, window)])

        pltpu.emit_pipeline(
            body,
            grid=(n_workers, steps),
            in_specs=[
                pl.BlockSpec((K, window), lambda w, i, _s=steps: (w * _s + i, 0))
            ],
            out_specs=[
                pl.BlockSpec((K * window, D),
                             lambda w, i, _s=steps: (w * _s + i, 0))
            ],
            core_axis_name=("c", "s"),
            dimension_semantics=(pltpu.PARALLEL, pltpu.ARBITRARY),
        )(idx_hbm, out_hbm)

    return gather_kernel(table, idx2d)


def _dot(a, b):
    return jnp.dot(a, b, preferred_element_type=jnp.float32)


def _atom_body(M, G, atom_ref, gath_ref, nbrf_ref, nidx_ref, state_ref,
               w_self_ref, w_nbr_ref, w_bond_ref, w_state_ref, ba_ref,
               w_bself_ref, atom_out_ref, pself_ref, seg_ref):
    i = pl.program_id(0)
    Bn, A = atom_ref.shape
    A2 = ba_ref.shape[1]

    atom = atom_ref[...]
    gath = gath_ref[...]
    nbrf = nbrf_ref[...]
    nidx = nidx_ref[0, 0, :]

    onehot = (nidx[:, None] == lax.broadcasted_iota(jnp.int32, (Bn, G), 1)
              ).astype(jnp.float32)

    z_edge = _dot(gath.astype(jnp.bfloat16),
                  w_nbr_ref[...].astype(jnp.bfloat16)) + _dot(
        nbrf, w_bond_ref[...])
    sproj = _dot(state_ref[...], w_state_ref[...])
    z_atom = _dot(atom, w_self_ref[...]) + _dot(onehot, sproj) + ba_ref[...]
    z = (z_edge.reshape(Bn, M, A2) + z_atom[:, None, :]).astype(jnp.bfloat16)
    filt = z[..., :A]
    core = z[..., A:]
    gated = jax.nn.sigmoid(filt) * _softplus(core)
    gsum = jnp.sum(gated.astype(jnp.float32), axis=1)
    atom_out = _softplus(atom + gsum)
    atom_out_ref[...] = atom_out
    pself_ref[...] = _dot(atom_out, w_bself_ref[...])

    onehot_t = (lax.broadcasted_iota(jnp.int32, (G, Bn), 0) == nidx[None, :]
                ).astype(jnp.float32)

    @pl.when(i == 0)
    def _():
        seg_ref[...] = jnp.zeros_like(seg_ref)

    seg_ref[...] += _dot(onehot_t, atom_out)


def _bond_body(M, G, nsteps, nbrf_ref, gatha_ref, pself_ref, nidx_ref,
               state_ref, seg_atom_ref, w_nbr_ref, w_bond_ref, w_state_ref,
               bb_ref, ws_a_ref, ws_b_ref, ws_s_ref, bs_ref,
               nbr_out_ref, state_out_ref, segb_scr, cnt_scr):
    i = pl.program_id(0)
    Bn = pself_ref.shape[0]
    NB = nbrf_ref.shape[1]

    nbrf = nbrf_ref[...]
    gathp = _dot(gatha_ref[...].astype(jnp.bfloat16),
                 w_nbr_ref[...].astype(jnp.bfloat16))
    nidx = nidx_ref[0, 0, :]

    onehot = (nidx[:, None] == lax.broadcasted_iota(jnp.int32, (Bn, G), 1)
              ).astype(jnp.float32)
    onehot_t = (lax.broadcasted_iota(jnp.int32, (G, Bn), 0) == nidx[None, :]
                ).astype(jnp.float32)

    zb_atom = (pself_ref[...] + _dot(onehot, _dot(state_ref[...], w_state_ref[...]))
               + bb_ref[...])
    zb_edge = _dot(nbrf, w_bond_ref[...]) + gathp
    nbr3 = nbrf.reshape(Bn, M, NB)
    zb = zb_edge.reshape(Bn, M, NB) + zb_atom[:, None, :]
    nbr_out = _softplus((nbr3 + zb).astype(jnp.bfloat16)).astype(jnp.float32)
    nbr_out_ref[...] = nbr_out
    bma = jnp.sum(nbr_out, axis=1) * (1.0 / M)

    @pl.when(i == 0)
    def _():
        segb_scr[...] = jnp.zeros_like(segb_scr)
        cnt_scr[...] = jnp.zeros_like(cnt_scr)

    segb_scr[...] += _dot(onehot_t, bma)
    cnt_scr[...] += _dot(onehot_t, jnp.ones((Bn, 128), jnp.float32))

    @pl.when(i == nsteps - 1)
    def _():
        cnt = jnp.maximum(cnt_scr[...], 1.0)
        atom_mean = seg_atom_ref[...] / cnt
        bond_mean = segb_scr[...] / cnt[:, :NB]
        st = state_ref[...]
        state_out_ref[...] = _softplus(
            st + _dot(atom_mean, ws_a_ref[...]) + _dot(bond_mean, ws_b_ref[...])
            + _dot(st, ws_s_ref[...]) + bs_ref[...])


def kernel(atom_fea, nbr_fea, state_fea, atom_nbr_idx, node_atom_idx,
           W_a, b_a, W_b, b_b, W_s, b_s):
    N, A = atom_fea.shape
    M = nbr_fea.shape[1]
    NB = nbr_fea.shape[2]
    G, S = state_fea.shape
    A2 = 2 * A
    E = N * M

    Bn = next(b for b in (200, 250, 100, 50, 40, 25, 20, 10, 8, 5, 4, 2, 1)
              if N % b == 0)
    nsteps = N // Bn

    quantum = 32 * _GATHER_K * 128
    Ep = ((E + quantum - 1) // quantum) * quantum
    idx_flat = jnp.pad(atom_nbr_idx.reshape(1, E).astype(jnp.int32),
                       ((0, 0), (0, Ep - E))).reshape(Ep // 128, 128)
    nbrf_flat = nbr_fea.reshape(E, NB)
    nidx3 = node_atom_idx.astype(jnp.int32).reshape(nsteps, 1, Bn)

    wa_self = W_a[:A]
    wa_nbr = W_a[A:2 * A]
    wa_bond = W_a[2 * A:2 * A + NB]
    wa_state = W_a[2 * A + NB:]
    wb_self = W_b[:A]
    wb_nbr = W_b[A:2 * A]
    wb_bond = W_b[2 * A:2 * A + NB]
    wb_state = W_b[2 * A + NB:]
    ws_a = W_s[:A]
    ws_b = W_s[A:A + NB]
    ws_s = W_s[A + NB:]
    ba2 = b_a.reshape(1, A2)
    bb2 = b_b.reshape(1, NB)
    bs2 = b_s.reshape(1, S)

    gath1 = _sc_gather(atom_fea, idx_flat)

    atom_out, p_self, seg_atom = pl.pallas_call(
        functools.partial(_atom_body, M, G),
        grid=(nsteps,),
        in_specs=[
            pl.BlockSpec((Bn, A), lambda i: (i, 0)),
            pl.BlockSpec((Bn * M, A), lambda i: (i, 0)),
            pl.BlockSpec((Bn * M, NB), lambda i: (i, 0)),
            pl.BlockSpec((1, 1, Bn), lambda i: (i, 0, 0)),
            pl.BlockSpec((G, S), lambda i: (0, 0)),
            pl.BlockSpec((A, A2), lambda i: (0, 0)),
            pl.BlockSpec((A, A2), lambda i: (0, 0)),
            pl.BlockSpec((NB, A2), lambda i: (0, 0)),
            pl.BlockSpec((S, A2), lambda i: (0, 0)),
            pl.BlockSpec((1, A2), lambda i: (0, 0)),
            pl.BlockSpec((A, NB), lambda i: (0, 0)),
        ],
        out_specs=[
            pl.BlockSpec((Bn, A), lambda i: (i, 0)),
            pl.BlockSpec((Bn, NB), lambda i: (i, 0)),
            pl.BlockSpec((G, A), lambda i: (0, 0)),
        ],
        out_shape=[
            jax.ShapeDtypeStruct((N, A), jnp.float32),
            jax.ShapeDtypeStruct((N, NB), jnp.float32),
            jax.ShapeDtypeStruct((G, A), jnp.float32),
        ],
    )(atom_fea, gath1, nbrf_flat, nidx3, state_fea,
      wa_self, wa_nbr, wa_bond, wa_state, ba2, wb_self)

    gathp = _sc_gather(atom_out, idx_flat)

    nbr_out3, state_out = pl.pallas_call(
        functools.partial(_bond_body, M, G, nsteps),
        grid=(nsteps,),
        in_specs=[
            pl.BlockSpec((Bn * M, NB), lambda i: (i, 0)),
            pl.BlockSpec((Bn * M, A), lambda i: (i, 0)),
            pl.BlockSpec((Bn, NB), lambda i: (i, 0)),
            pl.BlockSpec((1, 1, Bn), lambda i: (i, 0, 0)),
            pl.BlockSpec((G, S), lambda i: (0, 0)),
            pl.BlockSpec((G, A), lambda i: (0, 0)),
            pl.BlockSpec((A, NB), lambda i: (0, 0)),
            pl.BlockSpec((NB, NB), lambda i: (0, 0)),
            pl.BlockSpec((S, NB), lambda i: (0, 0)),
            pl.BlockSpec((1, NB), lambda i: (0, 0)),
            pl.BlockSpec((A, S), lambda i: (0, 0)),
            pl.BlockSpec((NB, S), lambda i: (0, 0)),
            pl.BlockSpec((S, S), lambda i: (0, 0)),
            pl.BlockSpec((1, S), lambda i: (0, 0)),
        ],
        out_specs=[
            pl.BlockSpec((Bn, M, NB), lambda i: (i, 0, 0)),
            pl.BlockSpec((G, S), lambda i: (0, 0)),
        ],
        out_shape=[
            jax.ShapeDtypeStruct((N, M, NB), jnp.float32),
            jax.ShapeDtypeStruct((G, S), jnp.float32),
        ],
        scratch_shapes=[
            pltpu.VMEM((G, NB), jnp.float32),
            pltpu.VMEM((G, 128), jnp.float32),
        ],
    )(nbrf_flat, gathp, p_self, nidx3, state_fea, seg_atom,
      wb_nbr, wb_bond, wb_state, bb2, ws_a, ws_b, ws_s, bs2)

    return atom_out, nbr_out3, state_out

# --- scband reference (transcript-rebuilt; emitter-appended) ---
"""Pipeline reference for scband-block-25555055411911 (READ-ONLY COPY).

The authoritative reference and input builder live on the scoring server;
editing this copy changes nothing except your own understanding.
"""

import jax, jax.numpy as jnp
import numpy as np

N = 10000
M = 32
A = 128
NB = 16
S = 16
G = 128

def setup_inputs(seed: int = 0):
    key = jax.random.key(seed)
    ks = jax.random.split(key, 10)
    atom_fea = jax.random.normal(ks[0], (N, A), dtype=jnp.float32)
    nbr_fea = jax.random.normal(ks[1], (N, M, NB), dtype=jnp.float32)
    state_fea = jax.random.normal(ks[2], (G, S), dtype=jnp.float32)
    atom_nbr_idx = jax.random.randint(ks[3], (N, M), 0, N)
    node_atom_idx = jnp.sort(jax.random.randint(ks[4], (N,), 0, G))
    W_a = jax.random.normal(ks[5], (2 * A + NB + S, 2 * A), dtype=jnp.float32) * 0.05
    b_a = jnp.zeros((2 * A,), dtype=jnp.float32)
    W_b = jax.random.normal(ks[6], (2 * A + NB + S, NB), dtype=jnp.float32) * 0.05
    b_b = jnp.zeros((NB,), dtype=jnp.float32)
    W_s = jax.random.normal(ks[7], (A + NB + S, S), dtype=jnp.float32) * 0.05
    b_s = jnp.zeros((S,), dtype=jnp.float32)
    return {"atom_fea": atom_fea, "nbr_fea": nbr_fea, "state_fea": state_fea,
            "atom_nbr_idx": atom_nbr_idx, "node_atom_idx": node_atom_idx,
            "W_a": W_a, "b_a": b_a, "W_b": W_b, "b_b": b_b, "W_s": W_s, "b_s": b_s}

def reference(atom_fea, nbr_fea, state_fea, atom_nbr_idx, node_atom_idx,
              W_a, b_a, W_b, b_b, W_s, b_s):
    # AtomLayer: gated CGCNN-style update with neighbor gather + state broadcast
    nbr_atom = atom_fea[atom_nbr_idx]                                   # [N, M, A] gather
    state_atom = state_fea[node_atom_idx]                               # [N, S] gather
    state_exp = jnp.broadcast_to(state_atom[:, None, :], (N, M, S))
    self_exp = jnp.broadcast_to(atom_fea[:, None, :], (N, M, A))
    total = jnp.concatenate([self_exp, nbr_atom, nbr_fea, state_exp], axis=-1)
    z = total @ W_a + b_a
    filt, core = jnp.split(z, 2, axis=-1)
    gated = jax.nn.sigmoid(filt) * jax.nn.softplus(core)
    atom_out = jax.nn.softplus(atom_fea + gated.sum(axis=1))            # residual
    # BondLayer: uses updated atom features
    nbr_atom2 = atom_out[atom_nbr_idx]
    self_exp2 = jnp.broadcast_to(atom_out[:, None, :], (N, M, A))
    total_b = jnp.concatenate([self_exp2, nbr_atom2, nbr_fea, state_exp], axis=-1)
    nbr_out = jax.nn.softplus(nbr_fea + total_b @ W_b + b_b)
    # StateLayer: per-graph mean pooling of atoms and bonds (segment reduce)
    counts = jnp.clip(jnp.bincount(node_atom_idx, length=G), 1).astype(jnp.float32)
    atom_mean = jax.ops.segment_sum(atom_out, node_atom_idx, num_segments=G) / counts[:, None]
    bond_mean_atom = nbr_out.mean(axis=1)
    bond_mean = jax.ops.segment_sum(bond_mean_atom, node_atom_idx, num_segments=G) / counts[:, None]
    total_s = jnp.concatenate([atom_mean, bond_mean, state_fea], axis=-1)
    state_out = jax.nn.softplus(state_fea + total_s @ W_s + b_s)
    return (atom_out, nbr_out, state_out)

if __name__ == "__main__":
    import jax
    _d = setup_inputs()
    print(jax.jit(kernel)(*tuple(_d.values())))

</pallas_src>

<mosaic_0001>
#map = affine_map<(d0, d1) -> (0, 0)>
module attributes {stable_mosaic.version = 14 : i64} {
  func.func @gather_kernel(%arg0: i32, %arg1: i32, %arg2: memref<10000x128xf32, #tpu.memory_space<hbm>>, %arg3: memref<2528x128xi32, #tpu.memory_space<hbm>>, %arg4: memref<323584x128xf32, #tpu.memory_space<hbm>>) attributes {dimension_semantics = [#tpu.dimension_semantics<core_parallel>, #tpu.dimension_semantics<subcore_parallel>], iteration_bounds = array<i64: 2, 16>, scalar_prefetch = 0 : i64, scratch_operands = 0 : i64, tpu.core_type = #tpu.core_type<sc_vector_subcore>, window_params = [{transform_indices = #map}, {transform_indices = #map}, {transform_indices = #map}]} {
    %mul3A = arith.constant 1 : i32
    %mul3A_0 = arith.muli %arg1, %mul3A : i32
    %add3A = arith.constant 0 : i32
    %add3A_1 = arith.addi %add3A, %mul3A_0 : i32
    %mul3A_2 = arith.constant 16 : i32
    %mul3A_3 = arith.muli %arg0, %mul3A_2 : i32
    %add3A_4 = arith.addi %add3A_1, %mul3A_3 : i32
    %mul3A_5 = arith.constant 1 : i32
    %mul3A_6 = arith.muli %add3A_4, %mul3A_5 : i32
    "tpu.region"() ({
      %run_scoped3A = memref.alloca() : memref<2x1x128xi32, #tpu.memory_space<vmem>>
      %run_scoped3A_7 = tpu.sem_alloc : memref<2x!tpu.dma_semaphore, #tpu.memory_space<semaphore_mem>>
      %run_scoped3A_8 = memref.alloca() : memref<2x128x128xf32, #tpu.memory_space<vmem>>
      %run_scoped3A_9 = tpu.sem_alloc : memref<2x!tpu.dma_semaphore, #tpu.memory_space<semaphore_mem>>
      %add3A_10 = arith.constant 0 : i32
      %add3A_11 = arith.addi %add3A_10, %mul3A_6 : i32
      %select_n3A = arith.constant true
      %select_n3A_12 = arith.constant 0 : i32
      %select_n3A_13 = arith.constant -1 : i32
      %select_n3A_14 = arith.select %select_n3A, %select_n3A_13, %select_n3A_12 : i32
      %eq3A = arith.constant -1 : i32
      %eq3A_15 = arith.cmpi eq, %select_n3A_14, %eq3A : i32
      %select_n3A_16 = arith.constant 78 : i32
      %select_n3A_17 = arith.select %eq3A_15, %select_n3A_16, %select_n3A_14 : i32
      %select_n3A_18 = arith.constant 0 : i32
      %select_n3A_19 = arith.constant -1 : i32
      %select_n3A_20 = arith.select %eq3A_15, %select_n3A_19, %select_n3A_18 : i32
      %eq3A_21 = arith.constant -1 : i32
      %eq3A_22 = arith.cmpi eq, %select_n3A_20, %eq3A_21 : i32
      %select_n3A_23 = arith.constant 0 : i32
      %select_n3A_24 = arith.select %eq3A_22, %select_n3A_23, %select_n3A_20 : i32
      %add3A_25 = arith.constant 0 : i32
      %add3A_26 = arith.addi %add3A_25, %mul3A_6 : i32
      %add3A_27 = arith.constant 0 : i32
      %add3A_28 = arith.addi %select_n3A_17, %add3A_27 : i32
      %select_n3A_29 = arith.constant true
      %select_n3A_30 = arith.constant 0 : i32
      %select_n3A_31 = arith.constant 1 : i32
      %select_n3A_32 = arith.select %select_n3A_29, %select_n3A_31, %select_n3A_30 : i32
      %eq3A_33 = arith.constant 79 : i32
      %eq3A_34 = arith.cmpi eq, %select_n3A_32, %eq3A_33 : i32
      %select_n3A_35 = arith.constant 0 : i32
      %select_n3A_36 = arith.select %eq3A_34, %select_n3A_35, %select_n3A_32 : i32
      %select_n3A_37 = arith.constant 0 : i32
      %select_n3A_38 = arith.constant 1 : i32
      %select_n3A_39 = arith.select %eq3A_34, %select_n3A_38, %select_n3A_37 : i32
      %eq3A_40 = arith.constant 1 : i32
      %eq3A_41 = arith.cmpi eq, %select_n3A_39, %eq3A_40 : i32
      %select_n3A_42 = arith.constant 0 : i32
      %select_n3A_43 = arith.select %eq3A_41, %select_n3A_42, %select_n3A_39 : i32
      %add3A_44 = arith.constant 0 : i32
      %add3A_45 = arith.addi %add3A_44, %mul3A_6 : i32
      %add3A_46 = arith.constant 0 : i32
      %add3A_47 = arith.addi %select_n3A_36, %add3A_46 : i32
      %add3A_48 = arith.constant 1 : i32
      %add3A_49 = arith.addi %select_n3A_36, %add3A_48 : i32
      %select_n3A_50 = arith.constant true
      %select_n3A_51 = arith.select %select_n3A_50, %add3A_49, %select_n3A_36 : i32
      %eq3A_52 = arith.constant 79 : i32
      %eq3A_53 = arith.cmpi eq, %select_n3A_51, %eq3A_52 : i32
      %select_n3A_54 = arith.constant 0 : i32
      %select_n3A_55 = arith.select %eq3A_53, %select_n3A_54, %select_n3A_51 : i32
      %select_n3A_56 = arith.constant 0 : i32
      %select_n3A_57 = arith.constant 1 : i32
      %select_n3A_58 = arith.select %eq3A_53, %select_n3A_57, %select_n3A_56 : i32
      %eq3A_59 = arith.constant 1 : i32
      %eq3A_60 = arith.cmpi eq, %select_n3A_58, %eq3A_59 : i32
      %select_n3A_61 = arith.constant 0 : i32
      %select_n3A_62 = arith.select %eq3A_60, %select_n3A_61, %select_n3A_58 : i32
      %add3A_63 = arith.constant 0 : i32
      %add3A_64 = arith.addi %add3A_63, %mul3A_6 : i32
      %add3A_65 = arith.constant 0 : i32
      %add3A_66 = arith.addi %select_n3A_55, %add3A_65 : i32
      "tpu.trace_start"() <{level = 10 : i32, message = "ep_initialize_0"}> : () -> ()
      %rem3A = arith.constant 0 : i32
      %rem3A_67 = arith.constant 2 : i32
      %rem3A_68 = arith.remui %rem3A, %rem3A_67 : i32
      %mul3A_69 = arith.constant 79 : i32
      %mul3A_70 = arith.muli %add3A_11, %mul3A_69 : i32
      %add3A_71 = arith.constant 0 : i32
      %add3A_72 = arith.addi %mul3A_70, %add3A_71 : i32
      %mul3A_73 = arith.constant 1 : i32
      %mul3A_74 = arith.muli %mul3A_73, %add3A_72 : i32
      %dma_start3A = arith.constant 0 : i32
      %dma_start3A_75 = arith.constant 0 : i32
      %dma_start3A_76 = tpu.memref_slice %run_scoped3A[%rem3A_68, %dma_start3A, %dma_start3A_75] : memref<2x1x128xi32, #tpu.memory_space<vmem>> -> memref<1x1x128xi32, #tpu.memory_space<vmem>>
      %dma_start3A_77 = tpu.memref_squeeze %dma_start3A_76 : memref<1x1x128xi32, #tpu.memory_space<vmem>> -> memref<1x128xi32, #tpu.memory_space<vmem>>
      %dma_start3A_78 = arith.constant 0 : i32
      %dma_start3A_79 = tpu.memref_slice %arg3[%mul3A_74, %dma_start3A_78] : memref<2528x128xi32, #tpu.memory_space<hbm>> -> memref<1x128xi32, #tpu.memory_space<hbm>>
      %dma_start3A_80 = tpu.memref_slice %run_scoped3A_7[%rem3A_68] : memref<2x!tpu.dma_semaphore, #tpu.memory_space<semaphore_mem>> -> memref<1x!tpu.dma_semaphore, #tpu.memory_space<semaphore_mem>>
      %dma_start3A_81 = tpu.memref_squeeze %dma_start3A_80 : memref<1x!tpu.dma_semaphore, #tpu.memory_space<semaphore_mem>> -> memref<!tpu.dma_semaphore, #tpu.memory_space<semaphore_mem>>
      %dma_start3A_82 = arith.constant 0 : i32
      %dma_start3A_83 = arith.constant 0 : i32
      %dma_start3A_84 = tpu.memref_slice %run_scoped3A[%rem3A_68, %dma_start3A_82, %dma_start3A_83] : memref<2x1x128xi32, #tpu.memory_space<vmem>> -> memref<1x1x128xi32, #tpu.memory_space<vmem>>
      %dma_start3A_85 = tpu.memref_squeeze %dma_start3A_84 : memref<1x1x128xi32, #tpu.memory_space<vmem>> -> memref<1x128xi32, #tpu.memory_space<vmem>>
      %dma_start3A_86 = arith.constant 0 : i32
      %dma_start3A_87 = tpu.memref_slice %arg3[%mul3A_74, %dma_start3A_86] : memref<2528x128xi32, #tpu.memory_space<hbm>> -> memref<1x128xi32, #tpu.memory_space<hbm>>
      tpu.enqueue_dma source(%dma_start3A_87 : memref<1x128xi32, #tpu.memory_space<hbm>>) target(%dma_start3A_85 : memref<1x128xi32, #tpu.memory_space<vmem>>) target_semaphore(%dma_start3A_81 : memref<!tpu.dma_semaphore, #tpu.memory_space<semaphore_mem>>)
      %add3A_88 = arith.constant 0 : i32
      %add3A_89 = arith.constant 1 : i32
      %add3A_90 = arith.addi %add3A_88, %add3A_89 : i32
      %select_n3A_91 = arith.constant true
      %select_n3A_92 = arith.constant 0 : i32
      %select_n3A_93 = arith.select %select_n3A_91, %add3A_90, %select_n3A_92 : i32
      "tpu.trace_stop"() : () -> ()
      %scan3A = arith.constant 0 : i32
      %scan3A_94 = arith.constant 0 : i32
      %scan3A_95 = arith.constant 0 : i32
      %scan3A_96 = arith.constant 0 : i32
      %scan3A_97 = arith.constant 0 : i32
      %scan3A_98 = arith.constant 0 : i32
      %scan3A_99 = arith.constant 79 : i32
      %scan3A_100 = arith.addi %scan3A_98, %scan3A_99 : i32
      %scan3A_101 = arith.constant 1 : i32
      %scan3A_102:6 = scf.for %scan3A_199 = %scan3A_98 to %scan3A_100 step %scan3A_101 iter_args(%scan3A_200 = %select_n3A_93, %scan3A_201 = %scan3A, %scan3A_202 = %scan3A_94, %scan3A_203 = %scan3A_95, %scan3A_204 = %scan3A_96, %scan3A_205 = %scan3A_97) -> (i32, i32, i32, i32, i32, i32)  : i32 {
        %eq3A_206 = arith.constant 0 : i32
        %eq3A_207 = arith.cmpi eq, %scan3A_199, %eq3A_206 : i32
        %eq3A_208 = arith.constant 78 : i32
        %eq3A_209 = arith.cmpi eq, %scan3A_199, %eq3A_208 : i32
        %add3A_210 = arith.constant 0 : i32
        %add3A_211 = arith.addi %add3A_210, %mul3A_6 : i32
        %add3A_212 = arith.constant 0 : i32
        %add3A_213 = arith.addi %scan3A_205, %add3A_212 : i32
        %sub3A_214 = arith.constant 1 : i32
        %sub3A_215 = arith.subi %scan3A_205, %sub3A_214 : i32
        %select_n3A_216 = arith.constant true
        %select_n3A_217 = arith.select %select_n3A_216, %sub3A_215, %scan3A_205 : i32
        %eq3A_218 = arith.constant -1 : i32
        %eq3A_219 = arith.cmpi eq, %select_n3A_217, %eq3A_218 : i32
        %select_n3A_220 = arith.constant 78 : i32
        %select_n3A_221 = arith.select %eq3A_219, %select_n3A_220, %select_n3A_217 : i32
        %select_n3A_222 = arith.constant 0 : i32
        %select_n3A_223 = arith.constant -1 : i32
        %select_n3A_224 = arith.select %eq3A_219, %select_n3A_223, %select_n3A_222 : i32
        %eq3A_225 = arith.constant -1 : i32
        %eq3A_226 = arith.cmpi eq, %select_n3A_224, %eq3A_225 : i32
        %select_n3A_227 = arith.constant 0 : i32
        %select_n3A_228 = arith.select %eq3A_226, %select_n3A_227, %select_n3A_224 : i32
        %add3A_229 = arith.constant 0 : i32
        %add3A_230 = arith.addi %add3A_229, %mul3A_6 : i32
        %add3A_231 = arith.constant 0 : i32
        %add3A_232 = arith.addi %select_n3A_221, %add3A_231 : i32
        %add3A_233 = arith.constant 1 : i32
        %add3A_234 = arith.addi %scan3A_205, %add3A_233 : i32
        %select_n3A_235 = arith.constant true
        %select_n3A_236 = arith.select %select_n3A_235, %add3A_234, %scan3A_205 : i32
        %eq3A_237 = arith.constant 79 : i32
        %eq3A_238 = arith.cmpi eq, %select_n3A_236, %eq3A_237 : i32
        %select_n3A_239 = arith.constant 0 : i32
        %select_n3A_240 = arith.select %eq3A_238, %select_n3A_239, %select_n3A_236 : i32
        %select_n3A_241 = arith.constant 0 : i32
        %select_n3A_242 = arith.constant 1 : i32
        %select_n3A_243 = arith.select %eq3A_238, %select_n3A_242, %select_n3A_241 : i32
        %eq3A_244 = arith.constant 1 : i32
        %eq3A_245 = arith.cmpi eq, %select_n3A_243, %eq3A_244 : i32
        %select_n3A_246 = arith.constant 0 : i32
        %select_n3A_247 = arith.select %eq3A_245, %select_n3A_246, %select_n3A_243 : i32
        %add3A_248 = arith.constant 0 : i32
        %add3A_249 = arith.addi %add3A_248, %mul3A_6 : i32
        %add3A_250 = arith.constant 0 : i32
        %add3A_251 = arith.addi %select_n3A_240, %add3A_250 : i32
        %add3A_252 = arith.constant 1 : i32
        %add3A_253 = arith.addi %select_n3A_240, %add3A_252 : i32
        %select_n3A_254 = arith.constant true
        %select_n3A_255 = arith.select %select_n3A_254, %add3A_253, %select_n3A_240 : i32
        %eq3A_256 = arith.constant 79 : i32
        %eq3A_257 = arith.cmpi eq, %select_n3A_255, %eq3A_256 : i32
        %select_n3A_258 = arith.constant 0 : i32
        %select_n3A_259 = arith.select %eq3A_257, %select_n3A_258, %select_n3A_255 : i32
        %select_n3A_260 = arith.constant 0 : i32
        %select_n3A_261 = arith.constant 1 : i32
        %select_n3A_262 = arith.select %eq3A_257, %select_n3A_261, %select_n3A_260 : i32
        %eq3A_263 = arith.constant 1 : i32
        %eq3A_264 = arith.cmpi eq, %select_n3A_262, %eq3A_263 : i32
        %select_n3A_265 = arith.constant 0 : i32
        %select_n3A_266 = arith.select %eq3A_264, %select_n3A_265, %select_n3A_262 : i32
        %add3A_267 = arith.constant 0 : i32
        %add3A_268 = arith.addi %add3A_267, %mul3A_6 : i32
        %add3A_269 = arith.constant 0 : i32
        %add3A_270 = arith.addi %select_n3A_259, %add3A_269 : i32
        %mul3A_271 = arith.constant 79 : i32
        %mul3A_272 = arith.muli %add3A_211, %mul3A_271 : i32
        %add3A_273 = arith.addi %mul3A_272, %add3A_213 : i32
        %mul3A_274 = arith.constant 79 : i32
        %mul3A_275 = arith.muli %add3A_249, %mul3A_274 : i32
        %add3A_276 = arith.addi %mul3A_275, %add3A_251 : i32
        %ne3A = arith.cmpi ne, %add3A_273, %add3A_276 : i32
        %or3A = arith.constant false
        %or3A_277 = arith.ori %or3A, %ne3A : i1
        %or3A_278 = arith.constant false
        %or3A_279 = arith.ori %or3A_277, %or3A_278 : i1
        %ge3A = arith.constant 78 : i32
        %ge3A_280 = arith.cmpi sge, %scan3A_199, %ge3A : i32
        %not3A = arith.constant true
        %not3A_281 = arith.xori %ge3A_280, %not3A : i1
        %and3A = arith.andi %or3A_279, %not3A_281 : i1
        %convert_element_type3A = arith.extui %and3A : i1 to i32
        %cond3A = arith.constant 0 : i32
        %cond3A_282 = arith.cmpi ne, %convert_element_type3A, %cond3A : i32
        scf.if %cond3A_282 {
          "tpu.trace_start"() <{level = 10 : i32, message = "ep_copy_in"}> : () -> ()
          %rem3A_448 = arith.constant 2 : i32
          %rem3A_449 = arith.remui %scan3A_200, %rem3A_448 : i32
          %mul3A_450 = arith.constant 79 : i32
          %mul3A_451 = arith.muli %add3A_249, %mul3A_450 : i32
          %add3A_452 = arith.addi %mul3A_451, %add3A_251 : i32
          %mul3A_453 = arith.constant 1 : i32
          %mul3A_454 = arith.muli %mul3A_453, %add3A_452 : i32
          %dma_start3A_455 = arith.constant 0 : i32
          %dma_start3A_456 = arith.constant 0 : i32
          %dma_start3A_457 = tpu.memref_slice %run_scoped3A[%rem3A_449, %dma_start3A_455, %dma_start3A_456] : memref<2x1x128xi32, #tpu.memory_space<vmem>> -> memref<1x1x128xi32, #tpu.memory_space<vmem>>
          %dma_start3A_458 = tpu.memref_squeeze %dma_start3A_457 : memref<1x1x128xi32, #tpu.memory_space<vmem>> -> memref<1x128xi32, #tpu.memory_space<vmem>>
          %dma_start3A_459 = arith.constant 0 : i32
          %dma_start3A_460 = tpu.memref_slice %arg3[%mul3A_454, %dma_start3A_459] : memref<2528x128xi32, #tpu.memory_space<hbm>> -> memref<1x128xi32, #tpu.memory_space<hbm>>
          %dma_start3A_461 = tpu.memref_slice %run_scoped3A_7[%rem3A_449] : memref<2x!tpu.dma_semaphore, #tpu.memory_space<semaphore_mem>> -> memref<1x!tpu.dma_semaphore, #tpu.memory_space<semaphore_mem>>
          %dma_start3A_462 = tpu.memref_squeeze %dma_start3A_461 : memref<1x!tpu.dma_semaphore, #tpu.memory_space<semaphore_mem>> -> memref<!tpu.dma_semaphore, #tpu.memory_space<semaphore_mem>>
          %dma_start3A_463 = arith.constant 0 : i32
          %dma_start3A_464 = arith.constant 0 : i32
          %dma_start3A_465 = tpu.memref_slice %run_scoped3A[%rem3A_449, %dma_start3A_463, %dma_start3A_464] : memref<2x1x128xi32, #tpu.memory_space<vmem>> -> memref<1x1x128xi32, #tpu.memory_space<vmem>>
          %dma_start3A_466 = tpu.memref_squeeze %dma_start3A_465 : memref<1x1x128xi32, #tpu.memory_space<vmem>> -> memref<1x128xi32, #tpu.memory_space<vmem>>
          %dma_start3A_467 = arith.constant 0 : i32
          %dma_start3A_468 = tpu.memref_slice %arg3[%mul3A_454, %dma_start3A_467] : memref<2528x128xi32, #tpu.memory_space<hbm>> -> memref<1x128xi32, #tpu.memory_space<hbm>>
          tpu.enqueue_dma source(%dma_start3A_468 : memref<1x128xi32, #tpu.memory_space<hbm>>) target(%dma_start3A_466 : memref<1x128xi32, #tpu.memory_space<vmem>>) target_semaphore(%dma_start3A_462 : memref<!tpu.dma_semaphore, #tpu.memory_space<semaphore_mem>>)
          "tpu.trace_stop"() : () -> ()
        } else {
        }
        %and3A_283 = arith.constant true
        %and3A_284 = arith.andi %and3A, %and3A_283 : i1
        %add3A_285 = arith.constant 1 : i32
        %add3A_286 = arith.addi %scan3A_200, %add3A_285 : i32
        %select_n3A_287 = arith.select %and3A_284, %add3A_286, %scan3A_200 : i32
        %mul3A_288 = arith.constant 79 : i32
        %mul3A_289 = arith.muli %add3A_211, %mul3A_288 : i32
        %add3A_290 = arith.addi %mul3A_289, %add3A_213 : i32
        %mul3A_291 = arith.constant 79 : i32
        %mul3A_292 = arith.muli %add3A_249, %mul3A_291 : i32
        %add3A_293 = arith.addi %mul3A_292, %add3A_251 : i32
        %ne3A_294 = arith.cmpi ne, %add3A_290, %add3A_293 : i32
        %or3A_295 = arith.constant false
        %or3A_296 = arith.ori %or3A_295, %ne3A_294 : i1
        %or3A_297 = arith.constant false
        %or3A_298 = arith.ori %or3A_296, %or3A_297 : i1
        %ge3A_299 = arith.constant 78 : i32
        %ge3A_300 = arith.cmpi sge, %scan3A_199, %ge3A_299 : i32
        %not3A_301 = arith.constant true
        %not3A_302 = arith.xori %ge3A_300, %not3A_301 : i1
        %and3A_303 = arith.andi %or3A_298, %not3A_302 : i1
        %mul3A_304 = arith.constant 79 : i32
        %mul3A_305 = arith.muli %add3A_211, %mul3A_304 : i32
        %add3A_306 = arith.addi %mul3A_305, %add3A_213 : i32
        %mul3A_307 = arith.constant 79 : i32
        %mul3A_308 = arith.muli %add3A_230, %mul3A_307 : i32
        %add3A_309 = arith.addi %mul3A_308, %add3A_232 : i32
        %ne3A_310 = arith.cmpi ne, %add3A_306, %add3A_309 : i32
        %or3A_311 = arith.constant false
        %or3A_312 = arith.ori %or3A_311, %ne3A_310 : i1
        %or3A_313 = arith.constant false
        %or3A_314 = arith.ori %or3A_312, %or3A_313 : i1
        %or3A_315 = arith.ori %or3A_314, %eq3A_207 : i1
        %convert_element_type3A_316 = arith.extui %or3A_315 : i1 to i32
        %cond3A_317 = arith.constant 0 : i32
        %cond3A_318 = arith.cmpi ne, %convert_element_type3A_316, %cond3A_317 : i32
        scf.if %cond3A_318 {
          "tpu.trace_start"() <{level = 10 : i32, message = "ep_wait_in"}> : () -> ()
          %mul3A_448 = arith.constant 79 : i32
          %mul3A_449 = arith.muli %add3A_211, %mul3A_448 : i32
          %add3A_450 = arith.addi %mul3A_449, %add3A_213 : i32
          %mul3A_451 = arith.constant 1 : i32
          %mul3A_452 = arith.muli %mul3A_451, %add3A_450 : i32
          %rem3A_453 = arith.constant 2 : i32
          %rem3A_454 = arith.remui %scan3A_201, %rem3A_453 : i32
          %dma_wait3A_455 = arith.constant 0 : i32
          %dma_wait3A_456 = arith.constant 0 : i32
          %dma_wait3A_457 = tpu.memref_slice %run_scoped3A[%rem3A_454, %dma_wait3A_455, %dma_wait3A_456] : memref<2x1x128xi32, #tpu.memory_space<vmem>> -> memref<1x1x128xi32, #tpu.memory_space<vmem>>
          %dma_wait3A_458 = tpu.memref_squeeze %dma_wait3A_457 : memref<1x1x128xi32, #tpu.memory_space<vmem>> -> memref<1x128xi32, #tpu.memory_space<vmem>>
          %dma_wait3A_459 = arith.constant 0 : i32
          %dma_wait3A_460 = tpu.memref_slice %arg3[%mul3A_452, %dma_wait3A_459] : memref<2528x128xi32, #tpu.memory_space<hbm>> -> memref<1x128xi32, #tpu.memory_space<hbm>>
          %dma_wait3A_461 = tpu.memref_slice %run_scoped3A_7[%rem3A_454] : memref<2x!tpu.dma_semaphore, #tpu.memory_space<semaphore_mem>> -> memref<1x!tpu.dma_semaphore, #tpu.memory_space<semaphore_mem>>
          %dma_wait3A_462 = tpu.memref_squeeze %dma_wait3A_461 : memref<1x!tpu.dma_semaphore, #tpu.memory_space<semaphore_mem>> -> memref<!tpu.dma_semaphore, #tpu.memory_space<semaphore_mem>>
          %dma_wait3A_463 = arith.constant 0 : i32
          %dma_wait3A_464 = arith.constant 0 : i32
          %dma_wait3A_465 = tpu.memref_slice %run_scoped3A[%rem3A_454, %dma_wait3A_463, %dma_wait3A_464] : memref<2x1x128xi32, #tpu.memory_space<vmem>> -> memref<1x1x128xi32, #tpu.memory_space<vmem>>
          %dma_wait3A_466 = tpu.memref_squeeze %dma_wait3A_465 : memref<1x1x128xi32, #tpu.memory_space<vmem>> -> memref<1x128xi32, #tpu.memory_space<vmem>>
          %dma_wait3A_467 = arith.constant 0 : i32
          %dma_wait3A_468 = tpu.memref_slice %arg3[%mul3A_452, %dma_wait3A_467] : memref<2528x128xi32, #tpu.memory_space<hbm>> -> memref<1x128xi32, #tpu.memory_space<hbm>>
          tpu.wait_dma2 semaphore(%dma_wait3A_462 : memref<!tpu.dma_semaphore, #tpu.memory_space<semaphore_mem>>) src(%dma_wait3A_468 : memref<1x128xi32, #tpu.memory_space<hbm>>) dst(%dma_wait3A_466 : memref<1x128xi32, #tpu.memory_space<vmem>>)
          "tpu.trace_stop"() : () -> ()
        } else {
        }
        %mul3A_319 = arith.constant 79 : i32
        %mul3A_320 = arith.muli %add3A_211, %mul3A_319 : i32
        %add3A_321 = arith.addi %mul3A_320, %add3A_213 : i32
        %mul3A_322 = arith.constant 79 : i32
        %mul3A_323 = arith.muli %add3A_230, %mul3A_322 : i32
        %add3A_324 = arith.addi %mul3A_323, %add3A_232 : i32
        %ne3A_325 = arith.cmpi ne, %add3A_321, %add3A_324 : i32
        %or3A_326 = arith.constant false
        %or3A_327 = arith.ori %or3A_326, %ne3A_325 : i1
        %or3A_328 = arith.constant false
        %or3A_329 = arith.ori %or3A_327, %or3A_328 : i1
        %or3A_330 = arith.ori %or3A_329, %eq3A_207 : i1
        %convert_element_type3A_331 = arith.extui %or3A_330 : i1 to i32
        %cond3A_332 = arith.constant 0 : i32
        %cond3A_333 = arith.cmpi ne, %convert_element_type3A_331, %cond3A_332 : i32
        scf.if %cond3A_333 {
        } else {
        }
        %rem3A_334 = arith.constant 2 : i32
        %rem3A_335 = arith.remui %scan3A_201, %rem3A_334 : i32
        %rem3A_336 = arith.constant 2 : i32
        %rem3A_337 = arith.remui %scan3A_202, %rem3A_336 : i32
        %run_scoped3A_338 = arith.constant 0 : i32
        "tpu.trace_start"() <{level = 10 : i32, message = "ep_run_kernel"}> : () -> ()
        "tpu.region"() ({
          %run_scoped3A_448 = tpu.sem_alloc : memref<!tpu.dma_semaphore, #tpu.memory_space<semaphore_mem>>
          %dma_start3A_449 = arith.constant 0 : i32
          %dma_start3A_450 = arith.constant 0 : i32
          %dma_start3A_451 = tpu.memref_slice %run_scoped3A_8[%rem3A_337, %dma_start3A_449, %dma_start3A_450] : memref<2x128x128xf32, #tpu.memory_space<vmem>> -> memref<1x128x128xf32, #tpu.memory_space<vmem>>
          %dma_start3A_452 = tpu.memref_squeeze %dma_start3A_451 : memref<1x128x128xf32, #tpu.memory_space<vmem>> -> memref<128x128xf32, #tpu.memory_space<vmem>>
          %dma_start3A_453 = arith.constant 0 : i32
          %dma_start3A_454 = arith.constant 0 : i32
          %dma_start3A_455 = tpu.memref_slice %dma_start3A_452[%dma_start3A_453, %dma_start3A_454] : memref<128x128xf32, #tpu.memory_space<vmem>> -> memref<128x128xf32, #tpu.memory_space<vmem>>
          %dma_start3A_456 = arith.constant 0 : i32
          %dma_start3A_457 = arith.constant 0 : i32
          %dma_start3A_458 = tpu.memref_slice %run_scoped3A[%rem3A_335, %dma_start3A_456, %dma_start3A_457] : memref<2x1x128xi32, #tpu.memory_space<vmem>> -> memref<1x1x128xi32, #tpu.memory_space<vmem>>
          %dma_start3A_459 = tpu.memref_squeeze %dma_start3A_458 : memref<1x1x128xi32, #tpu.memory_space<vmem>> -> memref<1x128xi32, #tpu.memory_space<vmem>>
          %dma_start3A_460 = arith.constant 0 : i32
          %dma_start3A_461 = tpu.memref_slice %dma_start3A_459[%run_scoped3A_338, %dma_start3A_460] : memref<1x128xi32, #tpu.memory_space<vmem>> -> memref<1x128xi32, #tpu.memory_space<vmem>>
          %dma_start3A_462 = tpu.memref_squeeze %dma_start3A_461 : memref<1x128xi32, #tpu.memory_space<vmem>> -> memref<128xi32, #tpu.memory_space<vmem>>
          %dma_start3A_463 = arith.constant 0 : i32
          %dma_start3A_464 = arith.constant 0 : i32
          %dma_start3A_465 = tpu.memref_slice %arg2[%dma_start3A_463, %dma_start3A_464] : memref<10000x128xf32, #tpu.memory_space<hbm>> -> memref<10000x128xf32, #tpu.memory_space<hbm>>
          tpu.enqueue_indirect_dma source(%dma_start3A_465 : memref<10000x128xf32, #tpu.memory_space<hbm>>) target(%dma_start3A_455 : memref<128x128xf32, #tpu.memory_space<vmem>>) offsets(%dma_start3A_462 : memref<128xi32, #tpu.memory_space<vmem>>) semaphore(%run_scoped3A_448 : memref<!tpu.dma_semaphore, #tpu.memory_space<semaphore_mem>>)
          %dma_wait3A_466 = arith.constant 0 : i32
          %dma_wait3A_467 = arith.constant 0 : i32
          %dma_wait3A_468 = tpu.memref_slice %run_scoped3A_8[%rem3A_337, %dma_wait3A_466, %dma_wait3A_467] : memref<2x128x128xf32, #tpu.memory_space<vmem>> -> memref<1x128x128xf32, #tpu.memory_space<vmem>>
          %dma_wait3A_469 = tpu.memref_squeeze %dma_wait3A_468 : memref<1x128x128xf32, #tpu.memory_space<vmem>> -> memref<128x128xf32, #tpu.memory_space<vmem>>
          %dma_wait3A_470 = arith.constant 0 : i32
          %dma_wait3A_471 = arith.constant 0 : i32
          %dma_wait3A_472 = tpu.memref_slice %dma_wait3A_469[%dma_wait3A_470, %dma_wait3A_471] : memref<128x128xf32, #tpu.memory_space<vmem>> -> memref<128x128xf32, #tpu.memory_space<vmem>>
          %dma_wait3A_473 = arith.constant 0 : i32
          %dma_wait3A_474 = arith.constant 0 : i32
          %dma_wait3A_475 = tpu.memref_slice %run_scoped3A[%rem3A_335, %dma_wait3A_473, %dma_wait3A_474] : memref<2x1x128xi32, #tpu.memory_space<vmem>> -> memref<1x1x128xi32, #tpu.memory_space<vmem>>
          %dma_wait3A_476 = tpu.memref_squeeze %dma_wait3A_475 : memref<1x1x128xi32, #tpu.memory_space<vmem>> -> memref<1x128xi32, #tpu.memory_space<vmem>>
          %dma_wait3A_477 = arith.constant 0 : i32
          %dma_wait3A_478 = tpu.memref_slice %dma_wait3A_476[%run_scoped3A_338, %dma_wait3A_477] : memref<1x128xi32, #tpu.memory_space<vmem>> -> memref<1x128xi32, #tpu.memory_space<vmem>>
          %dma_wait3A_479 = tpu.memref_squeeze %dma_wait3A_478 : memref<1x128xi32, #tpu.memory_space<vmem>> -> memref<128xi32, #tpu.memory_space<vmem>>
          %dma_wait3A_480 = arith.constant 0 : i32
          %dma_wait3A_481 = arith.constant 0 : i32
          %dma_wait3A_482 = tpu.memref_slice %arg2[%dma_wait3A_480, %dma_wait3A_481] : memref<10000x128xf32, #tpu.memory_space<hbm>> -> memref<10000x128xf32, #tpu.memory_space<hbm>>
          tpu.wait_indirect_dma semaphore(%run_scoped3A_448 : memref<!tpu.dma_semaphore, #tpu.memory_space<semaphore_mem>>) src(%dma_wait3A_482 : memref<10000x128xf32, #tpu.memory_space<hbm>>) dst(%dma_wait3A_472 : memref<128x128xf32, #tpu.memory_space<vmem>>)
          tpu.yield
        }) : () -> ()
        "tpu.trace_stop"() : () -> ()
        %mul3A_339 = arith.constant 79 : i32
        %mul3A_340 = arith.muli %add3A_211, %mul3A_339 : i32
        %add3A_341 = arith.addi %mul3A_340, %add3A_213 : i32
        %mul3A_342 = arith.constant 79 : i32
        %mul3A_343 = arith.muli %add3A_249, %mul3A_342 : i32
        %add3A_344 = arith.addi %mul3A_343, %add3A_251 : i32
        %ne3A_345 = arith.cmpi ne, %add3A_341, %add3A_344 : i32
        %or3A_346 = arith.constant false
        %or3A_347 = arith.ori %or3A_346, %ne3A_345 : i1
        %or3A_348 = arith.constant false
        %or3A_349 = arith.ori %or3A_347, %or3A_348 : i1
        %or3A_350 = arith.ori %or3A_349, %eq3A_209 : i1
        %convert_element_type3A_351 = arith.extui %or3A_350 : i1 to i32
        %cond3A_352 = arith.constant 0 : i32
        %cond3A_353 = arith.cmpi ne, %convert_element_type3A_351, %cond3A_352 : i32
        scf.if %cond3A_353 {
        } else {
        }
        %and3A_354 = arith.constant false
        %and3A_355 = arith.andi %or3A_350, %and3A_354 : i1
        %mul3A_356 = arith.constant 79 : i32
        %mul3A_357 = arith.muli %add3A_211, %mul3A_356 : i32
        %add3A_358 = arith.addi %mul3A_357, %add3A_213 : i32
        %mul3A_359 = arith.constant 79 : i32
        %mul3A_360 = arith.muli %add3A_249, %mul3A_359 : i32
        %add3A_361 = arith.addi %mul3A_360, %add3A_251 : i32
        %ne3A_362 = arith.cmpi ne, %add3A_358, %add3A_361 : i32
        %or3A_363 = arith.constant false
        %or3A_364 = arith.ori %or3A_363, %ne3A_362 : i1
        %or3A_365 = arith.constant false
        %or3A_366 = arith.ori %or3A_364, %or3A_365 : i1
        %or3A_367 = arith.ori %or3A_366, %eq3A_209 : i1
        %convert_element_type3A_368 = arith.extui %or3A_367 : i1 to i32
        %cond3A_369 = arith.constant 0 : i32
        %cond3A_370 = arith.cmpi ne, %convert_element_type3A_368, %cond3A_369 : i32
        scf.if %cond3A_370 {
          "tpu.trace_start"() <{level = 10 : i32, message = "ep_copy_out"}> : () -> ()
          %rem3A_448 = arith.constant 2 : i32
          %rem3A_449 = arith.remui %scan3A_202, %rem3A_448 : i32
          %mul3A_450 = arith.constant 79 : i32
          %mul3A_451 = arith.muli %add3A_211, %mul3A_450 : i32
          %add3A_452 = arith.addi %mul3A_451, %add3A_213 : i32
          %mul3A_453 = arith.constant 128 : i32
          %mul3A_454 = arith.muli %mul3A_453, %add3A_452 : i32
          %dma_start3A_455 = arith.constant 0 : i32
          %dma_start3A_456 = arith.constant 0 : i32
          %dma_start3A_457 = tpu.memref_slice %run_scoped3A_8[%rem3A_449, %dma_start3A_455, %dma_start3A_456] : memref<2x128x128xf32, #tpu.memory_space<vmem>> -> memref<1x128x128xf32, #tpu.memory_space<vmem>>
          %dma_start3A_458 = tpu.memref_squeeze %dma_start3A_457 : memref<1x128x128xf32, #tpu.memory_space<vmem>> -> memref<128x128xf32, #tpu.memory_space<vmem>>
          %dma_start3A_459 = arith.constant 0 : i32
          %dma_start3A_460 = tpu.memref_slice %arg4[%mul3A_454, %dma_start3A_459] : memref<323584x128xf32, #tpu.memory_space<hbm>> -> memref<128x128xf32, #tpu.memory_space<hbm>>
          %dma_start3A_461 = tpu.memref_slice %run_scoped3A_9[%rem3A_449] : memref<2x!tpu.dma_semaphore, #tpu.memory_space<semaphore_mem>> -> memref<1x!tpu.dma_semaphore, #tpu.memory_space<semaphore_mem>>
          %dma_start3A_462 = tpu.memref_squeeze %dma_start3A_461 : memref<1x!tpu.dma_semaphore, #tpu.memory_space<semaphore_mem>> -> memref<!tpu.dma_semaphore, #tpu.memory_space<semaphore_mem>>
          %dma_start3A_463 = arith.constant 0 : i32
          %dma_start3A_464 = tpu.memref_slice %arg4[%mul3A_454, %dma_start3A_463] : memref<323584x128xf32, #tpu.memory_space<hbm>> -> memref<128x128xf32, #tpu.memory_space<hbm>>
          %dma_start3A_465 = arith.constant 0 : i32
          %dma_start3A_466 = arith.constant 0 : i32
          %dma_start3A_467 = tpu.memref_slice %run_scoped3A_8[%rem3A_449, %dma_start3A_465, %dma_start3A_466] : memref<2x128x128xf32, #tpu.memory_space<vmem>> -> memref<1x128x128xf32, #tpu.memory_space<vmem>>
          %dma_start3A_468 = tpu.memref_squeeze %dma_start3A_467 : memref<1x128x128xf32, #tpu.memory_space<vmem>> -> memref<128x128xf32, #tpu.memory_space<vmem>>
          tpu.enqueue_dma source(%dma_start3A_468 : memref<128x128xf32, #tpu.memory_space<vmem>>) target(%dma_start3A_464 : memref<128x128xf32, #tpu.memory_space<hbm>>) target_semaphore(%dma_start3A_462 : memref<!tpu.dma_semaphore, #tpu.memory_space<semaphore_mem>>)
          "tpu.trace_stop"() : () -> ()
        } else {
        }
        %and3A_371 = arith.constant true
        %and3A_372 = arith.andi %or3A_367, %and3A_371 : i1
        %add3A_373 = arith.constant 1 : i32
        %add3A_374 = arith.addi %scan3A_202, %add3A_373 : i32
        %select_n3A_375 = arith.select %and3A_372, %add3A_374, %scan3A_202 : i32
        %mul3A_376 = arith.constant 79 : i32
        %mul3A_377 = arith.muli %add3A_211, %mul3A_376 : i32
        %add3A_378 = arith.addi %mul3A_377, %add3A_213 : i32
        %mul3A_379 = arith.constant 79 : i32
        %mul3A_380 = arith.muli %add3A_230, %mul3A_379 : i32
        %add3A_381 = arith.addi %mul3A_380, %add3A_232 : i32
        %ne3A_382 = arith.cmpi ne, %add3A_378, %add3A_381 : i32
        %or3A_383 = arith.constant false
        %or3A_384 = arith.ori %or3A_383, %ne3A_382 : i1
        %or3A_385 = arith.constant false
        %or3A_386 = arith.ori %or3A_384, %or3A_385 : i1
        %not3A_387 = arith.constant true
        %not3A_388 = arith.xori %eq3A_207, %not3A_387 : i1
        %and3A_389 = arith.andi %or3A_386, %not3A_388 : i1
        %convert_element_type3A_390 = arith.extui %and3A_389 : i1 to i32
        %cond3A_391 = arith.constant 0 : i32
        %cond3A_392 = arith.cmpi ne, %convert_element_type3A_390, %cond3A_391 : i32
        scf.if %cond3A_392 {
        } else {
        }
        %and3A_393 = arith.constant false
        %and3A_394 = arith.andi %and3A_389, %and3A_393 : i1
        %mul3A_395 = arith.constant 79 : i32
        %mul3A_396 = arith.muli %add3A_211, %mul3A_395 : i32
        %add3A_397 = arith.addi %mul3A_396, %add3A_213 : i32
        %mul3A_398 = arith.constant 79 : i32
        %mul3A_399 = arith.muli %add3A_230, %mul3A_398 : i32
        %add3A_400 = arith.addi %mul3A_399, %add3A_232 : i32
        %ne3A_401 = arith.cmpi ne, %add3A_397, %add3A_400 : i32
        %or3A_402 = arith.constant false
        %or3A_403 = arith.ori %or3A_402, %ne3A_401 : i1
        %or3A_404 = arith.constant false
        %or3A_405 = arith.ori %or3A_403, %or3A_404 : i1
        %not3A_406 = arith.constant true
        %not3A_407 = arith.xori %eq3A_207, %not3A_406 : i1
        %and3A_408 = arith.andi %or3A_405, %not3A_407 : i1
        %convert_element_type3A_409 = arith.extui %and3A_408 : i1 to i32
        %cond3A_410 = arith.constant 0 : i32
        %cond3A_411 = arith.cmpi ne, %convert_element_type3A_409, %cond3A_410 : i32
        scf.if %cond3A_411 {
          "tpu.trace_start"() <{level = 10 : i32, message = "ep_wait_out"}> : () -> ()
          %rem3A_448 = arith.constant 2 : i32
          %rem3A_449 = arith.remui %scan3A_203, %rem3A_448 : i32
          %mul3A_450 = arith.constant 79 : i32
          %mul3A_451 = arith.muli %add3A_230, %mul3A_450 : i32
          %add3A_452 = arith.addi %mul3A_451, %add3A_232 : i32
          %mul3A_453 = arith.constant 128 : i32
          %mul3A_454 = arith.muli %mul3A_453, %add3A_452 : i32
          %dma_wait3A_455 = arith.constant 0 : i32
          %dma_wait3A_456 = arith.constant 0 : i32
          %dma_wait3A_457 = tpu.memref_slice %run_scoped3A_8[%rem3A_449, %dma_wait3A_455, %dma_wait3A_456] : memref<2x128x128xf32, #tpu.memory_space<vmem>> -> memref<1x128x128xf32, #tpu.memory_space<vmem>>
          %dma_wait3A_458 = tpu.memref_squeeze %dma_wait3A_457 : memref<1x128x128xf32, #tpu.memory_space<vmem>> -> memref<128x128xf32, #tpu.memory_space<vmem>>
          %dma_wait3A_459 = arith.constant 0 : i32
          %dma_wait3A_460 = tpu.memref_slice %arg4[%mul3A_454, %dma_wait3A_459] : memref<323584x128xf32, #tpu.memory_space<hbm>> -> memref<128x128xf32, #tpu.memory_space<hbm>>
          %dma_wait3A_461 = tpu.memref_slice %run_scoped3A_9[%rem3A_449] : memref<2x!tpu.dma_semaphore, #tpu.memory_space<semaphore_mem>> -> memref<1x!tpu.dma_semaphore, #tpu.memory_space<semaphore_mem>>
          %dma_wait3A_462 = tpu.memref_squeeze %dma_wait3A_461 : memref<1x!tpu.dma_semaphore, #tpu.memory_space<semaphore_mem>> -> memref<!tpu.dma_semaphore, #tpu.memory_space<semaphore_mem>>
          %dma_wait3A_463 = arith.constant 0 : i32
          %dma_wait3A_464 = tpu.memref_slice %arg4[%mul3A_454, %dma_wait3A_463] : memref<323584x128xf32, #tpu.memory_space<hbm>> -> memref<128x128xf32, #tpu.memory_space<hbm>>
          %dma_wait3A_465 = arith.constant 0 : i32
          %dma_wait3A_466 = arith.constant 0 : i32
          %dma_wait3A_467 = tpu.memref_slice %run_scoped3A_8[%rem3A_449, %dma_wait3A_465, %dma_wait3A_466] : memref<2x128x128xf32, #tpu.memory_space<vmem>> -> memref<1x128x128xf32, #tpu.memory_space<vmem>>
          %dma_wait3A_468 = tpu.memref_squeeze %dma_wait3A_467 : memref<1x128x128xf32, #tpu.memory_space<vmem>> -> memref<128x128xf32, #tpu.memory_space<vmem>>
          tpu.wait_dma2 semaphore(%dma_wait3A_462 : memref<!tpu.dma_semaphore, #tpu.memory_space<semaphore_mem>>) src(%dma_wait3A_468 : memref<128x128xf32, #tpu.memory_space<vmem>>) dst(%dma_wait3A_464 : memref<128x128xf32, #tpu.memory_space<hbm>>)
          "tpu.trace_stop"() : () -> ()
        } else {
        }
        %and3A_412 = arith.constant true
        %and3A_413 = arith.andi %and3A_408, %and3A_412 : i1
        %add3A_414 = arith.constant 1 : i32
        %add3A_415 = arith.addi %scan3A_203, %add3A_414 : i32
        %select_n3A_416 = arith.select %and3A_413, %add3A_415, %scan3A_203 : i32
        %mul3A_417 = arith.constant 79 : i32
        %mul3A_418 = arith.muli %add3A_211, %mul3A_417 : i32
        %add3A_419 = arith.addi %mul3A_418, %add3A_213 : i32
        %mul3A_420 = arith.constant 79 : i32
        %mul3A_421 = arith.muli %add3A_249, %mul3A_420 : i32
        %add3A_422 = arith.addi %mul3A_421, %add3A_251 : i32
        %ne3A_423 = arith.cmpi ne, %add3A_419, %add3A_422 : i32
        %or3A_424 = arith.constant false
        %or3A_425 = arith.ori %or3A_424, %ne3A_423 : i1
        %or3A_426 = arith.constant false
        %or3A_427 = arith.ori %or3A_425, %or3A_426 : i1
        %or3A_428 = arith.ori %or3A_427, %eq3A_209 : i1
        %add3A_429 = arith.constant 1 : i32
        %add3A_430 = arith.addi %scan3A_201, %add3A_429 : i32
        %select_n3A_431 = arith.select %or3A_428, %add3A_430, %scan3A_201 : i32
        %add3A_432 = arith.constant 1 : i32
        %add3A_433 = arith.addi %scan3A_205, %add3A_432 : i32
        %select_n3A_434 = arith.constant true
        %select_n3A_435 = arith.select %select_n3A_434, %add3A_433, %scan3A_205 : i32
        %eq3A_436 = arith.constant 79 : i32
        %eq3A_437 = arith.cmpi eq, %select_n3A_435, %eq3A_436 : i32
        %select_n3A_438 = arith.constant 0 : i32
        %select_n3A_439 = arith.select %eq3A_437, %select_n3A_438, %select_n3A_435 : i32
        %select_n3A_440 = arith.constant 0 : i32
        %select_n3A_441 = arith.constant 1 : i32
        %select_n3A_442 = arith.select %eq3A_437, %select_n3A_441, %select_n3A_440 : i32
        %eq3A_443 = arith.constant 1 : i32
        %eq3A_444 = arith.cmpi eq, %select_n3A_442, %eq3A_443 : i32
        %select_n3A_445 = arith.constant 0 : i32
        %select_n3A_446 = arith.select %eq3A_444, %select_n3A_445, %select_n3A_442 : i32
        %scan3A_447 = arith.constant 0 : i32
        scf.yield %select_n3A_287, %select_n3A_431, %select_n3A_375, %select_n3A_416, %scan3A_447, %select_n3A_439 : i32, i32, i32, i32, i32, i32
      }
      %scan3A_103 = arith.constant 79 : i32
      %sub3A = arith.constant 1 : i32
      %sub3A_104 = arith.subi %scan3A_102#5, %sub3A : i32
      %select_n3A_105 = arith.constant true
      %select_n3A_106 = arith.select %select_n3A_105, %sub3A_104, %scan3A_102#5 : i32
      %eq3A_107 = arith.constant -1 : i32
      %eq3A_108 = arith.cmpi eq, %select_n3A_106, %eq3A_107 : i32
      %select_n3A_109 = arith.constant 78 : i32
      %select_n3A_110 = arith.select %eq3A_108, %select_n3A_109, %select_n3A_106 : i32
      %sub3A_111 = arith.constant 1 : i32
      %sub3A_112 = arith.subi %scan3A_102#4, %sub3A_111 : i32
      %select_n3A_113 = arith.select %eq3A_108, %sub3A_112, %scan3A_102#4 : i32
      %eq3A_114 = arith.constant -1 : i32
      %eq3A_115 = arith.cmpi eq, %select_n3A_113, %eq3A_114 : i32
      %select_n3A_116 = arith.constant 0 : i32
      %select_n3A_117 = arith.select %eq3A_115, %select_n3A_116, %select_n3A_113 : i32
      %add3A_118 = arith.constant 0 : i32
      %add3A_119 = arith.addi %add3A_118, %mul3A_6 : i32
      %add3A_120 = arith.constant 0 : i32
      %add3A_121 = arith.addi %select_n3A_110, %add3A_120 : i32
      %sub3A_122 = arith.constant 1 : i32
      %sub3A_123 = arith.subi %select_n3A_110, %sub3A_122 : i32
      %select_n3A_124 = arith.constant true
      %select_n3A_125 = arith.select %select_n3A_124, %sub3A_123, %select_n3A_110 : i32
      %eq3A_126 = arith.constant -1 : i32
      %eq3A_127 = arith.cmpi eq, %select_n3A_125, %eq3A_126 : i32
      %select_n3A_128 = arith.constant 78 : i32
      %select_n3A_129 = arith.select %eq3A_127, %select_n3A_128, %select_n3A_125 : i32
      %select_n3A_130 = arith.constant 0 : i32
      %select_n3A_131 = arith.constant -1 : i32
      %select_n3A_132 = arith.select %eq3A_127, %select_n3A_131, %select_n3A_130 : i32
      %eq3A_133 = arith.constant -1 : i32
      %eq3A_134 = arith.cmpi eq, %select_n3A_132, %eq3A_133 : i32
      %select_n3A_135 = arith.constant 0 : i32
      %select_n3A_136 = arith.select %eq3A_134, %select_n3A_135, %select_n3A_132 : i32
      %add3A_137 = arith.constant 0 : i32
      %add3A_138 = arith.addi %add3A_137, %mul3A_6 : i32
      %add3A_139 = arith.constant 0 : i32
      %add3A_140 = arith.addi %select_n3A_129, %add3A_139 : i32
      %add3A_141 = arith.constant 1 : i32
      %add3A_142 = arith.addi %select_n3A_110, %add3A_141 : i32
      %select_n3A_143 = arith.constant true
      %select_n3A_144 = arith.select %select_n3A_143, %add3A_142, %select_n3A_110 : i32
      %eq3A_145 = arith.constant 79 : i32
      %eq3A_146 = arith.cmpi eq, %select_n3A_144, %eq3A_145 : i32
      %select_n3A_147 = arith.constant 0 : i32
      %select_n3A_148 = arith.select %eq3A_146, %select_n3A_147, %select_n3A_144 : i32
      %select_n3A_149 = arith.constant 0 : i32
      %select_n3A_150 = arith.constant 1 : i32
      %select_n3A_151 = arith.select %eq3A_146, %select_n3A_150, %select_n3A_149 : i32
      %eq3A_152 = arith.constant 1 : i32
      %eq3A_153 = arith.cmpi eq, %select_n3A_151, %eq3A_152 : i32
      %select_n3A_154 = arith.constant 0 : i32
      %select_n3A_155 = arith.select %eq3A_153, %select_n3A_154, %select_n3A_151 : i32
      %add3A_156 = arith.constant 0 : i32
      %add3A_157 = arith.addi %add3A_156, %mul3A_6 : i32
      %add3A_158 = arith.constant 0 : i32
      %add3A_159 = arith.addi %select_n3A_148, %add3A_158 : i32
      %add3A_160 = arith.constant 1 : i32
      %add3A_161 = arith.addi %select_n3A_148, %add3A_160 : i32
      %select_n3A_162 = arith.constant true
      %select_n3A_163 = arith.select %select_n3A_162, %add3A_161, %select_n3A_148 : i32
      %eq3A_164 = arith.constant 79 : i32
      %eq3A_165 = arith.cmpi eq, %select_n3A_163, %eq3A_164 : i32
      %select_n3A_166 = arith.constant 0 : i32
      %select_n3A_167 = arith.select %eq3A_165, %select_n3A_166, %select_n3A_163 : i32
      %select_n3A_168 = arith.constant 0 : i32
      %select_n3A_169 = arith.constant 1 : i32
      %select_n3A_170 = arith.select %eq3A_165, %select_n3A_169, %select_n3A_168 : i32
      %eq3A_171 = arith.constant 1 : i32
      %eq3A_172 = arith.cmpi eq, %select_n3A_170, %eq3A_171 : i32
      %select_n3A_173 = arith.constant 0 : i32
      %select_n3A_174 = arith.select %eq3A_172, %select_n3A_173, %select_n3A_170 : i32
      %add3A_175 = arith.constant 0 : i32
      %add3A_176 = arith.addi %add3A_175, %mul3A_6 : i32
      %add3A_177 = arith.constant 0 : i32
      %add3A_178 = arith.addi %select_n3A_167, %add3A_177 : i32
      "tpu.trace_start"() <{level = 10 : i32, message = "ep_finalize"}> : () -> ()
      %rem3A_179 = arith.constant 2 : i32
      %rem3A_180 = arith.remui %scan3A_102#3, %rem3A_179 : i32
      %mul3A_181 = arith.constant 79 : i32
      %mul3A_182 = arith.muli %add3A_119, %mul3A_181 : i32
      %add3A_183 = arith.addi %mul3A_182, %add3A_121 : i32
      %mul3A_184 = arith.constant 128 : i32
      %mul3A_185 = arith.muli %mul3A_184, %add3A_183 : i32
      %dma_wait3A = arith.constant 0 : i32
      %dma_wait3A_186 = arith.constant 0 : i32
      %dma_wait3A_187 = tpu.memref_slice %run_scoped3A_8[%rem3A_180, %dma_wait3A, %dma_wait3A_186] : memref<2x128x128xf32, #tpu.memory_space<vmem>> -> memref<1x128x128xf32, #tpu.memory_space<vmem>>
      %dma_wait3A_188 = tpu.memref_squeeze %dma_wait3A_187 : memref<1x128x128xf32, #tpu.memory_space<vmem>> -> memref<128x128xf32, #tpu.memory_space<vmem>>
      %dma_wait3A_189 = arith.constant 0 : i32
      %dma_wait3A_190 = tpu.memref_slice %arg4[%mul3A_185, %dma_wait3A_189] : memref<323584x128xf32, #tpu.memory_space<hbm>> -> memref<128x128xf32, #tpu.memory_space<hbm>>
      %dma_wait3A_191 = tpu.memref_slice %run_scoped3A_9[%rem3A_180] : memref<2x!tpu.dma_semaphore, #tpu.memory_space<semaphore_mem>> -> memref<1x!tpu.dma_semaphore, #tpu.memory_space<semaphore_mem>>
      %dma_wait3A_192 = tpu.memref_squeeze %dma_wait3A_191 : memref<1x!tpu.dma_semaphore, #tpu.memory_space<semaphore_mem>> -> memref<!tpu.dma_semaphore, #tpu.memory_space<semaphore_mem>>
      %dma_wait3A_193 = arith.constant 0 : i32
      %dma_wait3A_194 = tpu.memref_slice %arg4[%mul3A_185, %dma_wait3A_193] : memref<323584x128xf32, #tpu.memory_space<hbm>> -> memref<128x128xf32, #tpu.memory_space<hbm>>
      %dma_wait3A_195 = arith.constant 0 : i32
      %dma_wait3A_196 = arith.constant 0 : i32
      %dma_wait3A_197 = tpu.memref_slice %run_scoped3A_8[%rem3A_180, %dma_wait3A_195, %dma_wait3A_196] : memref<2x128x128xf32, #tpu.memory_space<vmem>> -> memref<1x128x128xf32, #tpu.memory_space<vmem>>
      %dma_wait3A_198 = tpu.memref_squeeze %dma_wait3A_197 : memref<1x128x128xf32, #tpu.memory_space<vmem>> -> memref<128x128xf32, #tpu.memory_space<vmem>>
      tpu.wait_dma2 semaphore(%dma_wait3A_192 : memref<!tpu.dma_semaphore, #tpu.memory_space<semaphore_mem>>) src(%dma_wait3A_198 : memref<128x128xf32, #tpu.memory_space<vmem>>) dst(%dma_wait3A_194 : memref<128x128xf32, #tpu.memory_space<hbm>>)
      "tpu.trace_stop"() : () -> ()
      tpu.yield
    }) : () -> ()
    return
  }
}

#map = affine_map<(d0, d1) -> (0, 0)>
module attributes {stable_mosaic.version = 14 : i64} {
  func.func @gather_kernel(%arg0: i32, %arg1: i32, %arg2: memref<10000x128xf32, #tpu.memory_space<hbm>>, %arg3: memref<2528x128xi32, #tpu.memory_space<hbm>>, %arg4: memref<323584x128xf32, #tpu.memory_space<hbm>>) attributes {dimension_semantics = [#tpu.dimension_semantics<core_parallel>, #tpu.dimension_semantics<subcore_parallel>], iteration_bounds = array<i64: 2, 16>, scalar_prefetch = 0 : i64, scratch_operands = 0 : i64, tpu.core_type = #tpu.core_type<sc_vector_subcore>, window_params = [{transform_indices = #map}, {transform_indices = #map}, {transform_indices = #map}]} {
    %mul3A = arith.constant 1 : i32
    %mul3A_0 = arith.muli %arg1, %mul3A : i32
    %add3A = arith.constant 0 : i32
    %add3A_1 = arith.addi %add3A, %mul3A_0 : i32
    %mul3A_2 = arith.constant 16 : i32
    %mul3A_3 = arith.muli %arg0, %mul3A_2 : i32
    %add3A_4 = arith.addi %add3A_1, %mul3A_3 : i32
    %mul3A_5 = arith.constant 1 : i32
    %mul3A_6 = arith.muli %add3A_4, %mul3A_5 : i32
    "tpu.region"() ({
      %run_scoped3A = memref.alloca() : memref<2x1x128xi32, #tpu.memory_space<vmem>>
      %run_scoped3A_7 = tpu.sem_alloc : memref<2x!tpu.dma_semaphore, #tpu.memory_space<semaphore_mem>>
      %run_scoped3A_8 = memref.alloca() : memref<2x128x128xf32, #tpu.memory_space<vmem>>
      %run_scoped3A_9 = tpu.sem_alloc : memref<2x!tpu.dma_semaphore, #tpu.memory_space<semaphore_mem>>
      %add3A_10 = arith.constant 0 : i32
      %add3A_11 = arith.addi %add3A_10, %mul3A_6 : i32
      %select_n3A = arith.constant true
      %select_n3A_12 = arith.constant 0 : i32
      %select_n3A_13 = arith.constant -1 : i32
      %select_n3A_14 = arith.select %select_n3A, %select_n3A_13, %select_n3A_12 : i32
      %eq3A = arith.constant -1 : i32
      %eq3A_15 = arith.cmpi eq, %select_n3A_14, %eq3A : i32
      %select_n3A_16 = arith.constant 78 : i32
      %select_n3A_17 = arith.select %eq3A_15, %select_n3A_16, %select_n3A_14 : i32
      %select_n3A_18 = arith.constant 0 : i32
      %select_n3A_19 = arith.constant -1 : i32
      %select_n3A_20 = arith.select %eq3A_15, %select_n3A_19, %select_n3A_18 : i32
      %eq3A_21 = arith.constant -1 : i32
      %eq3A_22 = arith.cmpi eq, %select_n3A_20, %eq3A_21 : i32
      %select_n3A_23 = arith.constant 0 : i32
      %select_n3A_24 = arith.select %eq3A_22, %select_n3A_23, %select_n3A_20 : i32
      %add3A_25 = arith.constant 0 : i32
      %add3A_26 = arith.addi %add3A_25, %mul3A_6 : i32
      %add3A_27 = arith.constant 0 : i32
      %add3A_28 = arith.addi %select_n3A_17, %add3A_27 : i32
      %select_n3A_29 = arith.constant true
      %select_n3A_30 = arith.constant 0 : i32
      %select_n3A_31 = arith.constant 1 : i32
      %select_n3A_32 = arith.select %select_n3A_29, %select_n3A_31, %select_n3A_30 : i32
      %eq3A_33 = arith.constant 79 : i32
      %eq3A_34 = arith.cmpi eq, %select_n3A_32, %eq3A_33 : i32
      %select_n3A_35 = arith.constant 0 : i32
      %select_n3A_36 = arith.select %eq3A_34, %select_n3A_35, %select_n3A_32 : i32
      %select_n3A_37 = arith.constant 0 : i32
      %select_n3A_38 = arith.constant 1 : i32
      %select_n3A_39 = arith.select %eq3A_34, %select_n3A_38, %select_n3A_37 : i32
      %eq3A_40 = arith.constant 1 : i32
      %eq3A_41 = arith.cmpi eq, %select_n3A_39, %eq3A_40 : i32
      %select_n3A_42 = arith.constant 0 : i32
      %select_n3A_43 = arith.select %eq3A_41, %select_n3A_42, %select_n3A_39 : i32
      %add3A_44 = arith.constant 0 : i32
      %add3A_45 = arith.addi %add3A_44, %mul3A_6 : i32
      %add3A_46 = arith.constant 0 : i32
      %add3A_47 = arith.addi %select_n3A_36, %add3A_46 : i32
      %add3A_48 = arith.constant 1 : i32
      %add3A_49 = arith.addi %select_n3A_36, %add3A_48 : i32
      %select_n3A_50 = arith.constant true
      %select_n3A_51 = arith.select %select_n3A_50, %add3A_49, %select_n3A_36 : i32
      %eq3A_52 = arith.constant 79 : i32
      %eq3A_53 = arith.cmpi eq, %select_n3A_51, %eq3A_52 : i32
      %select_n3A_54 = arith.constant 0 : i32
      %select_n3A_55 = arith.select %eq3A_53, %select_n3A_54, %select_n3A_51 : i32
      %select_n3A_56 = arith.constant 0 : i32
      %select_n3A_57 = arith.constant 1 : i32
      %select_n3A_58 = arith.select %eq3A_53, %select_n3A_57, %select_n3A_56 : i32
      %eq3A_59 = arith.constant 1 : i32
      %eq3A_60 = arith.cmpi eq, %select_n3A_58, %eq3A_59 : i32
      %select_n3A_61 = arith.constant 0 : i32
      %select_n3A_62 = arith.select %eq3A_60, %select_n3A_61, %select_n3A_58 : i32
      %add3A_63 = arith.constant 0 : i32
      %add3A_64 = arith.addi %add3A_63, %mul3A_6 : i32
      %add3A_65 = arith.constant 0 : i32
      %add3A_66 = arith.addi %select_n3A_55, %add3A_65 : i32
      "tpu.trace_start"() <{level = 10 : i32, message = "ep_initialize_0"}> : () -> ()
      %rem3A = arith.constant 0 : i32
      %rem3A_67 = arith.constant 2 : i32
      %rem3A_68 = arith.remui %rem3A, %rem3A_67 : i32
      %mul3A_69 = arith.constant 79 : i32
      %mul3A_70 = arith.muli %add3A_11, %mul3A_69 : i32
      %add3A_71 = arith.constant 0 : i32
      %add3A_72 = arith.addi %mul3A_70, %add3A_71 : i32
      %mul3A_73 = arith.constant 1 : i32
      %mul3A_74 = arith.muli %mul3A_73, %add3A_72 : i32
      %dma_start3A = arith.constant 0 : i32
      %dma_start3A_75 = arith.constant 0 : i32
      %dma_start3A_76 = tpu.memref_slice %run_scoped3A[%rem3A_68, %dma_start3A, %dma_start3A_75] : memref<2x1x128xi32, #tpu.memory_space<vmem>> -> memref<1x1x128xi32, #tpu.memory_space<vmem>>
      %dma_start3A_77 = tpu.memref_squeeze %dma_start3A_76 : memref<1x1x128xi32, #tpu.memory_space<vmem>> -> memref<1x128xi32, #tpu.memory_space<vmem>>
      %dma_start3A_78 = arith.constant 0 : i32
      %dma_start3A_79 = tpu.memref_slice %arg3[%mul3A_74, %dma_start3A_78] : memref<2528x128xi32, #tpu.memory_space<hbm>> -> memref<1x128xi32, #tpu.memory_space<hbm>>
      %dma_start3A_80 = tpu.memref_slice %run_scoped3A_7[%rem3A_68] : memref<2x!tpu.dma_semaphore, #tpu.memory_space<semaphore_mem>> -> memref<1x!tpu.dma_semaphore, #tpu.memory_space<semaphore_mem>>
      %dma_start3A_81 = tpu.memref_squeeze %dma_start3A_80 : memref<1x!tpu.dma_semaphore, #tpu.memory_space<semaphore_mem>> -> memref<!tpu.dma_semaphore, #tpu.memory_space<semaphore_mem>>
      %dma_start3A_82 = arith.constant 0 : i32
      %dma_start3A_83 = arith.constant 0 : i32
      %dma_start3A_84 = tpu.memref_slice %run_scoped3A[%rem3A_68, %dma_start3A_82, %dma_start3A_83] : memref<2x1x128xi32, #tpu.memory_space<vmem>> -> memref<1x1x128xi32, #tpu.memory_space<vmem>>
      %dma_start3A_85 = tpu.memref_squeeze %dma_start3A_84 : memref<1x1x128xi32, #tpu.memory_space<vmem>> -> memref<1x128xi32, #tpu.memory_space<vmem>>
      %dma_start3A_86 = arith.constant 0 : i32
      %dma_start3A_87 = tpu.memref_slice %arg3[%mul3A_74, %dma_start3A_86] : memref<2528x128xi32, #tpu.memory_space<hbm>> -> memref<1x128xi32, #tpu.memory_space<hbm>>
      tpu.enqueue_dma source(%dma_start3A_87 : memref<1x128xi32, #tpu.memory_space<hbm>>) target(%dma_start3A_85 : memref<1x128xi32, #tpu.memory_space<vmem>>) target_semaphore(%dma_start3A_81 : memref<!tpu.dma_semaphore, #tpu.memory_space<semaphore_mem>>)
      %add3A_88 = arith.constant 0 : i32
      %add3A_89 = arith.constant 1 : i32
      %add3A_90 = arith.addi %add3A_88, %add3A_89 : i32
      %select_n3A_91 = arith.constant true
      %select_n3A_92 = arith.constant 0 : i32
      %select_n3A_93 = arith.select %select_n3A_91, %add3A_90, %select_n3A_92 : i32
      "tpu.trace_stop"() : () -> ()
      %scan3A = arith.constant 0 : i32
      %scan3A_94 = arith.constant 0 : i32
      %scan3A_95 = arith.constant 0 : i32
      %scan3A_96 = arith.constant 0 : i32
      %scan3A_97 = arith.constant 0 : i32
      %scan3A_98 = arith.constant 0 : i32
      %scan3A_99 = arith.constant 79 : i32
      %scan3A_100 = arith.addi %scan3A_98, %scan3A_99 : i32
      %scan3A_101 = arith.constant 1 : i32
      %scan3A_102:6 = scf.for %scan3A_199 = %scan3A_98 to %scan3A_100 step %scan3A_101 iter_args(%scan3A_200 = %select_n3A_93, %scan3A_201 = %scan3A, %scan3A_202 = %scan3A_94, %scan3A_203 = %scan3A_95, %scan3A_204 = %scan3A_96, %scan3A_205 = %scan3A_97) -> (i32, i32, i32, i32, i32, i32)  : i32 {
        %eq3A_206 = arith.constant 0 : i32
        %eq3A_207 = arith.cmpi eq, %scan3A_199, %eq3A_206 : i32
        %eq3A_208 = arith.constant 78 : i32
        %eq3A_209 = arith.cmpi eq, %scan3A_199, %eq3A_208 : i32
        %add3A_210 = arith.constant 0 : i32
        %add3A_211 = arith.addi %add3A_210, %mul3A_6 : i32
        %add3A_212 = arith.constant 0 : i32
        %add3A_213 = arith.addi %scan3A_205, %add3A_212 : i32
        %sub3A_214 = arith.constant 1 : i32
        %sub3A_215 = arith.subi %scan3A_205, %sub3A_214 : i32
        %select_n3A_216 = arith.constant true
        %select_n3A_217 = arith.select %select_n3A_216, %sub3A_215, %scan3A_205 : i32
        %eq3A_218 = arith.constant -1 : i32
        %eq3A_219 = arith.cmpi eq, %select_n3A_217, %eq3A_218 : i32
        %select_n3A_220 = arith.constant 78 : i32
        %select_n3A_221 = arith.select %eq3A_219, %select_n3A_220, %select_n3A_217 : i32
        %select_n3A_222 = arith.constant 0 : i32
        %select_n3A_223 = arith.constant -1 : i32
        %select_n3A_224 = arith.select %eq3A_219, %select_n3A_223, %select_n3A_222 : i32
        %eq3A_225 = arith.constant -1 : i32
        %eq3A_226 = arith.cmpi eq, %select_n3A_224, %eq3A_225 : i32
        %select_n3A_227 = arith.constant 0 : i32
        %select_n3A_228 = arith.select %eq3A_226, %select_n3A_227, %select_n3A_224 : i32
        %add3A_229 = arith.constant 0 : i32
        %add3A_230 = arith.addi %add3A_229, %mul3A_6 : i32
        %add3A_231 = arith.constant 0 : i32
        %add3A_232 = arith.addi %select_n3A_221, %add3A_231 : i32
        %add3A_233 = arith.constant 1 : i32
        %add3A_234 = arith.addi %scan3A_205, %add3A_233 : i32
        %select_n3A_235 = arith.constant true
        %select_n3A_236 = arith.select %select_n3A_235, %add3A_234, %scan3A_205 : i32
        %eq3A_237 = arith.constant 79 : i32
        %eq3A_238 = arith.cmpi eq, %select_n3A_236, %eq3A_237 : i32
        %select_n3A_239 = arith.constant 0 : i32
        %select_n3A_240 = arith.select %eq3A_238, %select_n3A_239, %select_n3A_236 : i32
        %select_n3A_241 = arith.constant 0 : i32
        %select_n3A_242 = arith.constant 1 : i32
        %select_n3A_243 = arith.select %eq3A_238, %select_n3A_242, %select_n3A_241 : i32
        %eq3A_244 = arith.constant 1 : i32
        %eq3A_245 = arith.cmpi eq, %select_n3A_243, %eq3A_244 : i32
        %select_n3A_246 = arith.constant 0 : i32
        %select_n3A_247 = arith.select %eq3A_245, %select_n3A_246, %select_n3A_243 : i32
        %add3A_248 = arith.constant 0 : i32
        %add3A_249 = arith.addi %add3A_248, %mul3A_6 : i32
        %add3A_250 = arith.constant 0 : i32
        %add3A_251 = arith.addi %select_n3A_240, %add3A_250 : i32
        %add3A_252 = arith.constant 1 : i32
        %add3A_253 = arith.addi %select_n3A_240, %add3A_252 : i32
        %select_n3A_254 = arith.constant true
        %select_n3A_255 = arith.select %select_n3A_254, %add3A_253, %select_n3A_240 : i32
        %eq3A_256 = arith.constant 79 : i32
        %eq3A_257 = arith.cmpi eq, %select_n3A_255, %eq3A_256 : i32
        %select_n3A_258 = arith.constant 0 : i32
        %select_n3A_259 = arith.select %eq3A_257, %select_n3A_258, %select_n3A_255 : i32
        %select_n3A_260 = arith.constant 0 : i32
        %select_n3A_261 = arith.constant 1 : i32
        %select_n3A_262 = arith.select %eq3A_257, %select_n3A_261, %select_n3A_260 : i32
        %eq3A_263 = arith.constant 1 : i32
        %eq3A_264 = arith.cmpi eq, %select_n3A_262, %eq3A_263 : i32
        %select_n3A_265 = arith.constant 0 : i32
        %select_n3A_266 = arith.select %eq3A_264, %select_n3A_265, %select_n3A_262 : i32
        %add3A_267 = arith.constant 0 : i32
        %add3A_268 = arith.addi %add3A_267, %mul3A_6 : i32
        %add3A_269 = arith.constant 0 : i32
        %add3A_270 = arith.addi %select_n3A_259, %add3A_269 : i32
        %mul3A_271 = arith.constant 79 : i32
        %mul3A_272 = arith.muli %add3A_211, %mul3A_271 : i32
        %add3A_273 = arith.addi %mul3A_272, %add3A_213 : i32
        %mul3A_274 = arith.constant 79 : i32
        %mul3A_275 = arith.muli %add3A_249, %mul3A_274 : i32
        %add3A_276 = arith.addi %mul3A_275, %add3A_251 : i32
        %ne3A = arith.cmpi ne, %add3A_273, %add3A_276 : i32
        %or3A = arith.constant false
        %or3A_277 = arith.ori %or3A, %ne3A : i1
        %or3A_278 = arith.constant false
        %or3A_279 = arith.ori %or3A_277, %or3A_278 : i1
        %ge3A = arith.constant 78 : i32
        %ge3A_280 = arith.cmpi sge, %scan3A_199, %ge3A : i32
        %not3A = arith.constant true
        %not3A_281 = arith.xori %ge3A_280, %not3A : i1
        %and3A = arith.andi %or3A_279, %not3A_281 : i1
        %convert_element_type3A = arith.extui %and3A : i1 to i32
        %cond3A = arith.constant 0 : i32
        %cond3A_282 = arith.cmpi ne, %convert_element_type3A, %cond3A : i32
        scf.if %cond3A_282 {
          "tpu.trace_start"() <{level = 10 : i32, message = "ep_copy_in"}> : () -> ()
          %rem3A_448 = arith.constant 2 : i32
          %rem3A_449 = arith.remui %scan3A_200, %rem3A_448 : i32
          %mul3A_450 = arith.constant 79 : i32
          %mul3A_451 = arith.muli %add3A_249, %mul3A_450 : i32
          %add3A_452 = arith.addi %mul3A_451, %add3A_251 : i32
          %mul3A_453 = arith.constant 1 : i32
          %mul3A_454 = arith.muli %mul3A_453, %add3A_452 : i32
          %dma_start3A_455 = arith.constant 0 : i32
          %dma_start3A_456 = arith.constant 0 : i32
          %dma_start3A_457 = tpu.memref_slice %run_scoped3A[%rem3A_449, %dma_start3A_455, %dma_start3A_456] : memref<2x1x128xi32, #tpu.memory_space<vmem>> -> memref<1x1x128xi32, #tpu.memory_space<vmem>>
          %dma_start3A_458 = tpu.memref_squeeze %dma_start3A_457 : memref<1x1x128xi32, #tpu.memory_space<vmem>> -> memref<1x128xi32, #tpu.memory_space<vmem>>
          %dma_start3A_459 = arith.constant 0 : i32
          %dma_start3A_460 = tpu.memref_slice %arg3[%mul3A_454, %dma_start3A_459] : memref<2528x128xi32, #tpu.memory_space<hbm>> -> memref<1x128xi32, #tpu.memory_space<hbm>>
          %dma_start3A_461 = tpu.memref_slice %run_scoped3A_7[%rem3A_449] : memref<2x!tpu.dma_semaphore, #tpu.memory_space<semaphore_mem>> -> memref<1x!tpu.dma_semaphore, #tpu.memory_space<semaphore_mem>>
          %dma_start3A_462 = tpu.memref_squeeze %dma_start3A_461 : memref<1x!tpu.dma_semaphore, #tpu.memory_space<semaphore_mem>> -> memref<!tpu.dma_semaphore, #tpu.memory_space<semaphore_mem>>
          %dma_start3A_463 = arith.constant 0 : i32
          %dma_start3A_464 = arith.constant 0 : i32
          %dma_start3A_465 = tpu.memref_slice %run_scoped3A[%rem3A_449, %dma_start3A_463, %dma_start3A_464] : memref<2x1x128xi32, #tpu.memory_space<vmem>> -> memref<1x1x128xi32, #tpu.memory_space<vmem>>
          %dma_start3A_466 = tpu.memref_squeeze %dma_start3A_465 : memref<1x1x128xi32, #tpu.memory_space<vmem>> -> memref<1x128xi32, #tpu.memory_space<vmem>>
          %dma_start3A_467 = arith.constant 0 : i32
          %dma_start3A_468 = tpu.memref_slice %arg3[%mul3A_454, %dma_start3A_467] : memref<2528x128xi32, #tpu.memory_space<hbm>> -> memref<1x128xi32, #tpu.memory_space<hbm>>
          tpu.enqueue_dma source(%dma_start3A_468 : memref<1x128xi32, #tpu.memory_space<hbm>>) target(%dma_start3A_466 : memref<1x128xi32, #tpu.memory_space<vmem>>) target_semaphore(%dma_start3A_462 : memref<!tpu.dma_semaphore, #tpu.memory_space<semaphore_mem>>)
          "tpu.trace_stop"() : () -> ()
        } else {
        }
        %and3A_283 = arith.constant true
        %and3A_284 = arith.andi %and3A, %and3A_283 : i1
        %add3A_285 = arith.constant 1 : i32
        %add3A_286 = arith.addi %scan3A_200, %add3A_285 : i32
        %select_n3A_287 = arith.select %and3A_284, %add3A_286, %scan3A_200 : i32
        %mul3A_288 = arith.constant 79 : i32
        %mul3A_289 = arith.muli %add3A_211, %mul3A_288 : i32
        %add3A_290 = arith.addi %mul3A_289, %add3A_213 : i32
        %mul3A_291 = arith.constant 79 : i32
        %mul3A_292 = arith.muli %add3A_249, %mul3A_291 : i32
        %add3A_293 = arith.addi %mul3A_292, %add3A_251 : i32
        %ne3A_294 = arith.cmpi ne, %add3A_290, %add3A_293 : i32
        %or3A_295 = arith.constant false
        %or3A_296 = arith.ori %or3A_295, %ne3A_294 : i1
        %or3A_297 = arith.constant false
        %or3A_298 = arith.ori %or3A_296, %or3A_297 : i1
        %ge3A_299 = arith.constant 78 : i32
        %ge3A_300 = arith.cmpi sge, %scan3A_199, %ge3A_299 : i32
        %not3A_301 = arith.constant true
        %not3A_302 = arith.xori %ge3A_300, %not3A_301 : i1
        %and3A_303 = arith.andi %or3A_298, %not3A_302 : i1
        %mul3A_304 = arith.constant 79 : i32
        %mul3A_305 = arith.muli %add3A_211, %mul3A_304 : i32
        %add3A_306 = arith.addi %mul3A_305, %add3A_213 : i32
        %mul3A_307 = arith.constant 79 : i32
        %mul3A_308 = arith.muli %add3A_230, %mul3A_307 : i32
        %add3A_309 = arith.addi %mul3A_308, %add3A_232 : i32
        %ne3A_310 = arith.cmpi ne, %add3A_306, %add3A_309 : i32
        %or3A_311 = arith.constant false
        %or3A_312 = arith.ori %or3A_311, %ne3A_310 : i1
        %or3A_313 = arith.constant false
        %or3A_314 = arith.ori %or3A_312, %or3A_313 : i1
        %or3A_315 = arith.ori %or3A_314, %eq3A_207 : i1
        %convert_element_type3A_316 = arith.extui %or3A_315 : i1 to i32
        %cond3A_317 = arith.constant 0 : i32
        %cond3A_318 = arith.cmpi ne, %convert_element_type3A_316, %cond3A_317 : i32
        scf.if %cond3A_318 {
          "tpu.trace_start"() <{level = 10 : i32, message = "ep_wait_in"}> : () -> ()
          %mul3A_448 = arith.constant 79 : i32
          %mul3A_449 = arith.muli %add3A_211, %mul3A_448 : i32
          %add3A_450 = arith.addi %mul3A_449, %add3A_213 : i32
          %mul3A_451 = arith.constant 1 : i32
          %mul3A_452 = arith.muli %mul3A_451, %add3A_450 : i32
          %rem3A_453 = arith.constant 2 : i32
          %rem3A_454 = arith.remui %scan3A_201, %rem3A_453 : i32
          %dma_wait3A_455 = arith.constant 0 : i32
          %dma_wait3A_456 = arith.constant 0 : i32
          %dma_wait3A_457 = tpu.memref_slice %run_scoped3A[%rem3A_454, %dma_wait3A_455, %dma_wait3A_456] : memref<2x1x128xi32, #tpu.memory_space<vmem>> -> memref<1x1x128xi32, #tpu.memory_space<vmem>>
          %dma_wait3A_458 = tpu.memref_squeeze %dma_wait3A_457 : memref<1x1x128xi32, #tpu.memory_space<vmem>> -> memref<1x128xi32, #tpu.memory_space<vmem>>
          %dma_wait3A_459 = arith.constant 0 : i32
          %dma_wait3A_460 = tpu.memref_slice %arg3[%mul3A_452, %dma_wait3A_459] : memref<2528x128xi32, #tpu.memory_space<hbm>> -> memref<1x128xi32, #tpu.memory_space<hbm>>
          %dma_wait3A_461 = tpu.memref_slice %run_scoped3A_7[%rem3A_454] : memref<2x!tpu.dma_semaphore, #tpu.memory_space<semaphore_mem>> -> memref<1x!tpu.dma_semaphore, #tpu.memory_space<semaphore_mem>>
          %dma_wait3A_462 = tpu.memref_squeeze %dma_wait3A_461 : memref<1x!tpu.dma_semaphore, #tpu.memory_space<semaphore_mem>> -> memref<!tpu.dma_semaphore, #tpu.memory_space<semaphore_mem>>
          %dma_wait3A_463 = arith.constant 0 : i32
          %dma_wait3A_464 = arith.constant 0 : i32
          %dma_wait3A_465 = tpu.memref_slice %run_scoped3A[%rem3A_454, %dma_wait3A_463, %dma_wait3A_464] : memref<2x1x128xi32, #tpu.memory_space<vmem>> -> memref<1x1x128xi32, #tpu.memory_space<vmem>>
          %dma_wait3A_466 = tpu.memref_squeeze %dma_wait3A_465 : memref<1x1x128xi32, #tpu.memory_space<vmem>> -> memref<1x128xi32, #tpu.memory_space<vmem>>
          %dma_wait3A_467 = arith.constant 0 : i32
          %dma_wait3A_468 = tpu.memref_slice %arg3[%mul3A_452, %dma_wait3A_467] : memref<2528x128xi32, #tpu.memory_space<hbm>> -> memref<1x128xi32, #tpu.memory_space<hbm>>
          tpu.wait_dma2 semaphore(%dma_wait3A_462 : memref<!tpu.dma_semaphore, #tpu.memory_space<semaphore_mem>>) src(%dma_wait3A_468 : memref<1x128xi32, #tpu.memory_space<hbm>>) dst(%dma_wait3A_466 : memref<1x128xi32, #tpu.memory_space<vmem>>)
          "tpu.trace_stop"() : () -> ()
        } else {
        }
        %mul3A_319 = arith.constant 79 : i32
        %mul3A_320 = arith.muli %add3A_211, %mul3A_319 : i32
        %add3A_321 = arith.addi %mul3A_320, %add3A_213 : i32
        %mul3A_322 = arith.constant 79 : i32
        %mul3A_323 = arith.muli %add3A_230, %mul3A_322 : i32
        %add3A_324 = arith.addi %mul3A_323, %add3A_232 : i32
        %ne3A_325 = arith.cmpi ne, %add3A_321, %add3A_324 : i32
        %or3A_326 = arith.constant false
        %or3A_327 = arith.ori %or3A_326, %ne3A_325 : i1
        %or3A_328 = arith.constant false
        %or3A_329 = arith.ori %or3A_327, %or3A_328 : i1
        %or3A_330 = arith.ori %or3A_329, %eq3A_207 : i1
        %convert_element_type3A_331 = arith.extui %or3A_330 : i1 to i32
        %cond3A_332 = arith.constant 0 : i32
        %cond3A_333 = arith.cmpi ne, %convert_element_type3A_331, %cond3A_332 : i32
        scf.if %cond3A_333 {
        } else {
        }
        %rem3A_334 = arith.constant 2 : i32
        %rem3A_335 = arith.remui %scan3A_201, %rem3A_334 : i32
        %rem3A_336 = arith.constant 2 : i32
        %rem3A_337 = arith.remui %scan3A_202, %rem3A_336 : i32
        %run_scoped3A_338 = arith.constant 0 : i32
        "tpu.trace_start"() <{level = 10 : i32, message = "ep_run_kernel"}> : () -> ()
        "tpu.region"() ({
          %run_scoped3A_448 = tpu.sem_alloc : memref<!tpu.dma_semaphore, #tpu.memory_space<semaphore_mem>>
          %dma_start3A_449 = arith.constant 0 : i32
          %dma_start3A_450 = arith.constant 0 : i32
          %dma_start3A_451 = tpu.memref_slice %run_scoped3A_8[%rem3A_337, %dma_start3A_449, %dma_start3A_450] : memref<2x128x128xf32, #tpu.memory_space<vmem>> -> memref<1x128x128xf32, #tpu.memory_space<vmem>>
          %dma_start3A_452 = tpu.memref_squeeze %dma_start3A_451 : memref<1x128x128xf32, #tpu.memory_space<vmem>> -> memref<128x128xf32, #tpu.memory_space<vmem>>
          %dma_start3A_453 = arith.constant 0 : i32
          %dma_start3A_454 = arith.constant 0 : i32
          %dma_start3A_455 = tpu.memref_slice %dma_start3A_452[%dma_start3A_453, %dma_start3A_454] : memref<128x128xf32, #tpu.memory_space<vmem>> -> memref<128x128xf32, #tpu.memory_space<vmem>>
          %dma_start3A_456 = arith.constant 0 : i32
          %dma_start3A_457 = arith.constant 0 : i32
          %dma_start3A_458 = tpu.memref_slice %run_scoped3A[%rem3A_335, %dma_start3A_456, %dma_start3A_457] : memref<2x1x128xi32, #tpu.memory_space<vmem>> -> memref<1x1x128xi32, #tpu.memory_space<vmem>>
          %dma_start3A_459 = tpu.memref_squeeze %dma_start3A_458 : memref<1x1x128xi32, #tpu.memory_space<vmem>> -> memref<1x128xi32, #tpu.memory_space<vmem>>
          %dma_start3A_460 = arith.constant 0 : i32
          %dma_start3A_461 = tpu.memref_slice %dma_start3A_459[%run_scoped3A_338, %dma_start3A_460] : memref<1x128xi32, #tpu.memory_space<vmem>> -> memref<1x128xi32, #tpu.memory_space<vmem>>
          %dma_start3A_462 = tpu.memref_squeeze %dma_start3A_461 : memref<1x128xi32, #tpu.memory_space<vmem>> -> memref<128xi32, #tpu.memory_space<vmem>>
          %dma_start3A_463 = arith.constant 0 : i32
          %dma_start3A_464 = arith.constant 0 : i32
          %dma_start3A_465 = tpu.memref_slice %arg2[%dma_start3A_463, %dma_start3A_464] : memref<10000x128xf32, #tpu.memory_space<hbm>> -> memref<10000x128xf32, #tpu.memory_space<hbm>>
          tpu.enqueue_indirect_dma source(%dma_start3A_465 : memref<10000x128xf32, #tpu.memory_space<hbm>>) target(%dma_start3A_455 : memref<128x128xf32, #tpu.memory_space<vmem>>) offsets(%dma_start3A_462 : memref<128xi32, #tpu.memory_space<vmem>>) semaphore(%run_scoped3A_448 : memref<!tpu.dma_semaphore, #tpu.memory_space<semaphore_mem>>)
          %dma_wait3A_466 = arith.constant 0 : i32
          %dma_wait3A_467 = arith.constant 0 : i32
          %dma_wait3A_468 = tpu.memref_slice %run_scoped3A_8[%rem3A_337, %dma_wait3A_466, %dma_wait3A_467] : memref<2x128x128xf32, #tpu.memory_space<vmem>> -> memref<1x128x128xf32, #tpu.memory_space<vmem>>
          %dma_wait3A_469 = tpu.memref_squeeze %dma_wait3A_468 : memref<1x128x128xf32, #tpu.memory_space<vmem>> -> memref<128x128xf32, #tpu.memory_space<vmem>>
          %dma_wait3A_470 = arith.constant 0 : i32
          %dma_wait3A_471 = arith.constant 0 : i32
          %dma_wait3A_472 = tpu.memref_slice %dma_wait3A_469[%dma_wait3A_470, %dma_wait3A_471] : memref<128x128xf32, #tpu.memory_space<vmem>> -> memref<128x128xf32, #tpu.memory_space<vmem>>
          %dma_wait3A_473 = arith.constant 0 : i32
          %dma_wait3A_474 = arith.constant 0 : i32
          %dma_wait3A_475 = tpu.memref_slice %run_scoped3A[%rem3A_335, %dma_wait3A_473, %dma_wait3A_474] : memref<2x1x128xi32, #tpu.memory_space<vmem>> -> memref<1x1x128xi32, #tpu.memory_space<vmem>>
          %dma_wait3A_476 = tpu.memref_squeeze %dma_wait3A_475 : memref<1x1x128xi32, #tpu.memory_space<vmem>> -> memref<1x128xi32, #tpu.memory_space<vmem>>
          %dma_wait3A_477 = arith.constant 0 : i32
          %dma_wait3A_478 = tpu.memref_slice %dma_wait3A_476[%run_scoped3A_338, %dma_wait3A_477] : memref<1x128xi32, #tpu.memory_space<vmem>> -> memref<1x128xi32, #tpu.memory_space<vmem>>
          %dma_wait3A_479 = tpu.memref_squeeze %dma_wait3A_478 : memref<1x128xi32, #tpu.memory_space<vmem>> -> memref<128xi32, #tpu.memory_space<vmem>>
          %dma_wait3A_480 = arith.constant 0 : i32
          %dma_wait3A_481 = arith.constant 0 : i32
          %dma_wait3A_482 = tpu.memref_slice %arg2[%dma_wait3A_480, %dma_wait3A_481] : memref<10000x128xf32, #tpu.memory_space<hbm>> -> memref<10000x128xf32, #tpu.memory_space<hbm>>
          tpu.wait_indirect_dma semaphore(%run_scoped3A_448 : memref<!tpu.dma_semaphore, #tpu.memory_space<semaphore_mem>>) src(%dma_wait3A_482 : memref<10000x128xf32, #tpu.memory_space<hbm>>) dst(%dma_wait3A_472 : memref<128x128xf32, #tpu.memory_space<vmem>>)
          tpu.yield
        }) : () -> ()
        "tpu.trace_stop"() : () -> ()
        %mul3A_339 = arith.constant 79 : i32
        %mul3A_340 = arith.muli %add3A_211, %mul3A_339 : i32
        %add3A_341 = arith.addi %mul3A_340, %add3A_213 : i32
        %mul3A_342 = arith.constant 79 : i32
        %mul3A_343 = arith.muli %add3A_249, %mul3A_342 : i32
        %add3A_344 = arith.addi %mul3A_343, %add3A_251 : i32
        %ne3A_345 = arith.cmpi ne, %add3A_341, %add3A_344 : i32
        %or3A_346 = arith.constant false
        %or3A_347 = arith.ori %or3A_346, %ne3A_345 : i1
        %or3A_348 = arith.constant false
        %or3A_349 = arith.ori %or3A_347, %or3A_348 : i1
        %or3A_350 = arith.ori %or3A_349, %eq3A_209 : i1
        %convert_element_type3A_351 = arith.extui %or3A_350 : i1 to i32
        %cond3A_352 = arith.constant 0 : i32
        %cond3A_353 = arith.cmpi ne, %convert_element_type3A_351, %cond3A_352 : i32
        scf.if %cond3A_353 {
        } else {
        }
        %and3A_354 = arith.constant false
        %and3A_355 = arith.andi %or3A_350, %and3A_354 : i1
        %mul3A_356 = arith.constant 79 : i32
        %mul3A_357 = arith.muli %add3A_211, %mul3A_356 : i32
        %add3A_358 = arith.addi %mul3A_357, %add3A_213 : i32
        %mul3A_359 = arith.constant 79 : i32
        %mul3A_360 = arith.muli %add3A_249, %mul3A_359 : i32
        %add3A_361 = arith.addi %mul3A_360, %add3A_251 : i32
        %ne3A_362 = arith.cmpi ne, %add3A_358, %add3A_361 : i32
        %or3A_363 = arith.constant false
        %or3A_364 = arith.ori %or3A_363, %ne3A_362 : i1
        %or3A_365 = arith.constant false
        %or3A_366 = arith.ori %or3A_364, %or3A_365 : i1
        %or3A_367 = arith.ori %or3A_366, %eq3A_209 : i1
        %convert_element_type3A_368 = arith.extui %or3A_367 : i1 to i32
        %cond3A_369 = arith.constant 0 : i32
        %cond3A_370 = arith.cmpi ne, %convert_element_type3A_368, %cond3A_369 : i32
        scf.if %cond3A_370 {
          "tpu.trace_start"() <{level = 10 : i32, message = "ep_copy_out"}> : () -> ()
          %rem3A_448 = arith.constant 2 : i32
          %rem3A_449 = arith.remui %scan3A_202, %rem3A_448 : i32
          %mul3A_450 = arith.constant 79 : i32
          %mul3A_451 = arith.muli %add3A_211, %mul3A_450 : i32
          %add3A_452 = arith.addi %mul3A_451, %add3A_213 : i32
          %mul3A_453 = arith.constant 128 : i32
          %mul3A_454 = arith.muli %mul3A_453, %add3A_452 : i32
          %dma_start3A_455 = arith.constant 0 : i32
          %dma_start3A_456 = arith.constant 0 : i32
          %dma_start3A_457 = tpu.memref_slice %run_scoped3A_8[%rem3A_449, %dma_start3A_455, %dma_start3A_456] : memref<2x128x128xf32, #tpu.memory_space<vmem>> -> memref<1x128x128xf32, #tpu.memory_space<vmem>>
          %dma_start3A_458 = tpu.memref_squeeze %dma_start3A_457 : memref<1x128x128xf32, #tpu.memory_space<vmem>> -> memref<128x128xf32, #tpu.memory_space<vmem>>
          %dma_start3A_459 = arith.constant 0 : i32
          %dma_start3A_460 = tpu.memref_slice %arg4[%mul3A_454, %dma_start3A_459] : memref<323584x128xf32, #tpu.memory_space<hbm>> -> memref<128x128xf32, #tpu.memory_space<hbm>>
          %dma_start3A_461 = tpu.memref_slice %run_scoped3A_9[%rem3A_449] : memref<2x!tpu.dma_semaphore, #tpu.memory_space<semaphore_mem>> -> memref<1x!tpu.dma_semaphore, #tpu.memory_space<semaphore_mem>>
          %dma_start3A_462 = tpu.memref_squeeze %dma_start3A_461 : memref<1x!tpu.dma_semaphore, #tpu.memory_space<semaphore_mem>> -> memref<!tpu.dma_semaphore, #tpu.memory_space<semaphore_mem>>
          %dma_start3A_463 = arith.constant 0 : i32
          %dma_start3A_464 = tpu.memref_slice %arg4[%mul3A_454, %dma_start3A_463] : memref<323584x128xf32, #tpu.memory_space<hbm>> -> memref<128x128xf32, #tpu.memory_space<hbm>>
          %dma_start3A_465 = arith.constant 0 : i32
          %dma_start3A_466 = arith.constant 0 : i32
          %dma_start3A_467 = tpu.memref_slice %run_scoped3A_8[%rem3A_449, %dma_start3A_465, %dma_start3A_466] : memref<2x128x128xf32, #tpu.memory_space<vmem>> -> memref<1x128x128xf32, #tpu.memory_space<vmem>>
          %dma_start3A_468 = tpu.memref_squeeze %dma_start3A_467 : memref<1x128x128xf32, #tpu.memory_space<vmem>> -> memref<128x128xf32, #tpu.memory_space<vmem>>
          tpu.enqueue_dma source(%dma_start3A_468 : memref<128x128xf32, #tpu.memory_space<vmem>>) target(%dma_start3A_464 : memref<128x128xf32, #tpu.memory_space<hbm>>) target_semaphore(%dma_start3A_462 : memref<!tpu.dma_semaphore, #tpu.memory_space<semaphore_mem>>)
          "tpu.trace_stop"() : () -> ()
        } else {
        }
        %and3A_371 = arith.constant true
        %and3A_372 = arith.andi %or3A_367, %and3A_371 : i1
        %add3A_373 = arith.constant 1 : i32
        %add3A_374 = arith.addi %scan3A_202, %add3A_373 : i32
        %select_n3A_375 = arith.select %and3A_372, %add3A_374, %scan3A_202 : i32
        %mul3A_376 = arith.constant 79 : i32
        %mul3A_377 = arith.muli %add3A_211, %mul3A_376 : i32
        %add3A_378 = arith.addi %mul3A_377, %add3A_213 : i32
        %mul3A_379 = arith.constant 79 : i32
        %mul3A_380 = arith.muli %add3A_230, %mul3A_379 : i32
        %add3A_381 = arith.addi %mul3A_380, %add3A_232 : i32
        %ne3A_382 = arith.cmpi ne, %add3A_378, %add3A_381 : i32
        %or3A_383 = arith.constant false
        %or3A_384 = arith.ori %or3A_383, %ne3A_382 : i1
        %or3A_385 = arith.constant false
        %or3A_386 = arith.ori %or3A_384, %or3A_385 : i1
        %not3A_387 = arith.constant true
        %not3A_388 = arith.xori %eq3A_207, %not3A_387 : i1
        %and3A_389 = arith.andi %or3A_386, %not3A_388 : i1
        %convert_element_type3A_390 = arith.extui %and3A_389 : i1 to i32
        %cond3A_391 = arith.constant 0 : i32
        %cond3A_392 = arith.cmpi ne, %convert_element_type3A_390, %cond3A_391 : i32
        scf.if %cond3A_392 {
        } else {
        }
        %and3A_393 = arith.constant false
        %and3A_394 = arith.andi %and3A_389, %and3A_393 : i1
        %mul3A_395 = arith.constant 79 : i32
        %mul3A_396 = arith.muli %add3A_211, %mul3A_395 : i32
        %add3A_397 = arith.addi %mul3A_396, %add3A_213 : i32
        %mul3A_398 = arith.constant 79 : i32
        %mul3A_399 = arith.muli %add3A_230, %mul3A_398 : i32
        %add3A_400 = arith.addi %mul3A_399, %add3A_232 : i32
        %ne3A_401 = arith.cmpi ne, %add3A_397, %add3A_400 : i32
        %or3A_402 = arith.constant false
        %or3A_403 = arith.ori %or3A_402, %ne3A_401 : i1
        %or3A_404 = arith.constant false
        %or3A_405 = arith.ori %or3A_403, %or3A_404 : i1
        %not3A_406 = arith.constant true
        %not3A_407 = arith.xori %eq3A_207, %not3A_406 : i1
        %and3A_408 = arith.andi %or3A_405, %not3A_407 : i1
        %convert_element_type3A_409 = arith.extui %and3A_408 : i1 to i32
        %cond3A_410 = arith.constant 0 : i32
        %cond3A_411 = arith.cmpi ne, %convert_element_type3A_409, %cond3A_410 : i32
        scf.if %cond3A_411 {
          "tpu.trace_start"() <{level = 10 : i32, message = "ep_wait_out"}> : () -> ()
          %rem3A_448 = arith.constant 2 : i32
          %rem3A_449 = arith.remui %scan3A_203, %rem3A_448 : i32
          %mul3A_450 = arith.constant 79 : i32
          %mul3A_451 = arith.muli %add3A_230, %mul3A_450 : i32
          %add3A_452 = arith.addi %mul3A_451, %add3A_232 : i32
          %mul3A_453 = arith.constant 128 : i32
          %mul3A_454 = arith.muli %mul3A_453, %add3A_452 : i32
          %dma_wait3A_455 = arith.constant 0 : i32
          %dma_wait3A_456 = arith.constant 0 : i32
          %dma_wait3A_457 = tpu.memref_slice %run_scoped3A_8[%rem3A_449, %dma_wait3A_455, %dma_wait3A_456] : memref<2x128x128xf32, #tpu.memory_space<vmem>> -> memref<1x128x128xf32, #tpu.memory_space<vmem>>
          %dma_wait3A_458 = tpu.memref_squeeze %dma_wait3A_457 : memref<1x128x128xf32, #tpu.memory_space<vmem>> -> memref<128x128xf32, #tpu.memory_space<vmem>>
          %dma_wait3A_459 = arith.constant 0 : i32
          %dma_wait3A_460 = tpu.memref_slice %arg4[%mul3A_454, %dma_wait3A_459] : memref<323584x128xf32, #tpu.memory_space<hbm>> -> memref<128x128xf32, #tpu.memory_space<hbm>>
          %dma_wait3A_461 = tpu.memref_slice %run_scoped3A_9[%rem3A_449] : memref<2x!tpu.dma_semaphore, #tpu.memory_space<semaphore_mem>> -> memref<1x!tpu.dma_semaphore, #tpu.memory_space<semaphore_mem>>
          %dma_wait3A_462 = tpu.memref_squeeze %dma_wait3A_461 : memref<1x!tpu.dma_semaphore, #tpu.memory_space<semaphore_mem>> -> memref<!tpu.dma_semaphore, #tpu.memory_space<semaphore_mem>>
          %dma_wait3A_463 = arith.constant 0 : i32
          %dma_wait3A_464 = tpu.memref_slice %arg4[%mul3A_454, %dma_wait3A_463] : memref<323584x128xf32, #tpu.memory_space<hbm>> -> memref<128x128xf32, #tpu.memory_space<hbm>>
          %dma_wait3A_465 = arith.constant 0 : i32
          %dma_wait3A_466 = arith.constant 0 : i32
          %dma_wait3A_467 = tpu.memref_slice %run_scoped3A_8[%rem3A_449, %dma_wait3A_465, %dma_wait3A_466] : memref<2x128x128xf32, #tpu.memory_space<vmem>> -> memref<1x128x128xf32, #tpu.memory_space<vmem>>
          %dma_wait3A_468 = tpu.memref_squeeze %dma_wait3A_467 : memref<1x128x128xf32, #tpu.memory_space<vmem>> -> memref<128x128xf32, #tpu.memory_space<vmem>>
          tpu.wait_dma2 semaphore(%dma_wait3A_462 : memref<!tpu.dma_semaphore, #tpu.memory_space<semaphore_mem>>) src(%dma_wait3A_468 : memref<128x128xf32, #tpu.memory_space<vmem>>) dst(%dma_wait3A_464 : memref<128x128xf32, #tpu.memory_space<hbm>>)
          "tpu.trace_stop"() : () -> ()
        } else {
        }
        %and3A_412 = arith.constant true
        %and3A_413 = arith.andi %and3A_408, %and3A_412 : i1
        %add3A_414 = arith.constant 1 : i32
        %add3A_415 = arith.addi %scan3A_203, %add3A_414 : i32
        %select_n3A_416 = arith.select %and3A_413, %add3A_415, %scan3A_203 : i32
        %mul3A_417 = arith.constant 79 : i32
        %mul3A_418 = arith.muli %add3A_211, %mul3A_417 : i32
        %add3A_419 = arith.addi %mul3A_418, %add3A_213 : i32
        %mul3A_420 = arith.constant 79 : i32
        %mul3A_421 = arith.muli %add3A_249, %mul3A_420 : i32
        %add3A_422 = arith.addi %mul3A_421, %add3A_251 : i32
        %ne3A_423 = arith.cmpi ne, %add3A_419, %add3A_422 : i32
        %or3A_424 = arith.constant false
        %or3A_425 = arith.ori %or3A_424, %ne3A_423 : i1
        %or3A_426 = arith.constant false
        %or3A_427 = arith.ori %or3A_425, %or3A_426 : i1
        %or3A_428 = arith.ori %or3A_427, %eq3A_209 : i1
        %add3A_429 = arith.constant 1 : i32
        %add3A_430 = arith.addi %scan3A_201, %add3A_429 : i32
        %select_n3A_431 = arith.select %or3A_428, %add3A_430, %scan3A_201 : i32
        %add3A_432 = arith.constant 1 : i32
        %add3A_433 = arith.addi %scan3A_205, %add3A_432 : i32
        %select_n3A_434 = arith.constant true
        %select_n3A_435 = arith.select %select_n3A_434, %add3A_433, %scan3A_205 : i32
        %eq3A_436 = arith.constant 79 : i32
        %eq3A_437 = arith.cmpi eq, %select_n3A_435, %eq3A_436 : i32
        %select_n3A_438 = arith.constant 0 : i32
        %select_n3A_439 = arith.select %eq3A_437, %select_n3A_438, %select_n3A_435 : i32
        %select_n3A_440 = arith.constant 0 : i32
        %select_n3A_441 = arith.constant 1 : i32
        %select_n3A_442 = arith.select %eq3A_437, %select_n3A_441, %select_n3A_440 : i32
        %eq3A_443 = arith.constant 1 : i32
        %eq3A_444 = arith.cmpi eq, %select_n3A_442, %eq3A_443 : i32
        %select_n3A_445 = arith.constant 0 : i32
        %select_n3A_446 = arith.select %eq3A_444, %select_n3A_445, %select_n3A_442 : i32
        %scan3A_447 = arith.constant 0 : i32
        scf.yield %select_n3A_287, %select_n3A_431, %select_n3A_375, %select_n3A_416, %scan3A_447, %select_n3A_439 : i32, i32, i32, i32, i32, i32
      }
      %scan3A_103 = arith.constant 79 : i32
      %sub3A = arith.constant 1 : i32
      %sub3A_104 = arith.subi %scan3A_102#5, %sub3A : i32
      %select_n3A_105 = arith.constant true
      %select_n3A_106 = arith.select %select_n3A_105, %sub3A_104, %scan3A_102#5 : i32
      %eq3A_107 = arith.constant -1 : i32
      %eq3A_108 = arith.cmpi eq, %select_n3A_106, %eq3A_107 : i32
      %select_n3A_109 = arith.constant 78 : i32
      %select_n3A_110 = arith.select %eq3A_108, %select_n3A_109, %select_n3A_106 : i32
      %sub3A_111 = arith.constant 1 : i32
      %sub3A_112 = arith.subi %scan3A_102#4, %sub3A_111 : i32
      %select_n3A_113 = arith.select %eq3A_108, %sub3A_112, %scan3A_102#4 : i32
      %eq3A_114 = arith.constant -1 : i32
      %eq3A_115 = arith.cmpi eq, %select_n3A_113, %eq3A_114 : i32
      %select_n3A_116 = arith.constant 0 : i32
      %select_n3A_117 = arith.select %eq3A_115, %select_n3A_116, %select_n3A_113 : i32
      %add3A_118 = arith.constant 0 : i32
      %add3A_119 = arith.addi %add3A_118, %mul3A_6 : i32
      %add3A_120 = arith.constant 0 : i32
      %add3A_121 = arith.addi %select_n3A_110, %add3A_120 : i32
      %sub3A_122 = arith.constant 1 : i32
      %sub3A_123 = arith.subi %select_n3A_110, %sub3A_122 : i32
      %select_n3A_124 = arith.constant true
      %select_n3A_125 = arith.select %select_n3A_124, %sub3A_123, %select_n3A_110 : i32
      %eq3A_126 = arith.constant -1 : i32
      %eq3A_127 = arith.cmpi eq, %select_n3A_125, %eq3A_126 : i32
      %select_n3A_128 = arith.constant 78 : i32
      %select_n3A_129 = arith.select %eq3A_127, %select_n3A_128, %select_n3A_125 : i32
      %select_n3A_130 = arith.constant 0 : i32
      %select_n3A_131 = arith.constant -1 : i32
      %select_n3A_132 = arith.select %eq3A_127, %select_n3A_131, %select_n3A_130 : i32
      %eq3A_133 = arith.constant -1 : i32
      %eq3A_134 = arith.cmpi eq, %select_n3A_132, %eq3A_133 : i32
      %select_n3A_135 = arith.constant 0 : i32
      %select_n3A_136 = arith.select %eq3A_134, %select_n3A_135, %select_n3A_132 : i32
      %add3A_137 = arith.constant 0 : i32
      %add3A_138 = arith.addi %add3A_137, %mul3A_6 : i32
      %add3A_139 = arith.constant 0 : i32
      %add3A_140 = arith.addi %select_n3A_129, %add3A_139 : i32
      %add3A_141 = arith.constant 1 : i32
      %add3A_142 = arith.addi %select_n3A_110, %add3A_141 : i32
      %select_n3A_143 = arith.constant true
      %select_n3A_144 = arith.select %select_n3A_143, %add3A_142, %select_n3A_110 : i32
      %eq3A_145 = arith.constant 79 : i32
      %eq3A_146 = arith.cmpi eq, %select_n3A_144, %eq3A_145 : i32
      %select_n3A_147 = arith.constant 0 : i32
      %select_n3A_148 = arith.select %eq3A_146, %select_n3A_147, %select_n3A_144 : i32
      %select_n3A_149 = arith.constant 0 : i32
      %select_n3A_150 = arith.constant 1 : i32
      %select_n3A_151 = arith.select %eq3A_146, %select_n3A_150, %select_n3A_149 : i32
      %eq3A_152 = arith.constant 1 : i32
      %eq3A_153 = arith.cmpi eq, %select_n3A_151, %eq3A_152 : i32
      %select_n3A_154 = arith.constant 0 : i32
      %select_n3A_155 = arith.select %eq3A_153, %select_n3A_154, %select_n3A_151 : i32
      %add3A_156 = arith.constant 0 : i32
      %add3A_157 = arith.addi %add3A_156, %mul3A_6 : i32
      %add3A_158 = arith.constant 0 : i32
      %add3A_159 = arith.addi %select_n3A_148, %add3A_158 : i32
      %add3A_160 = arith.constant 1 : i32
      %add3A_161 = arith.addi %select_n3A_148, %add3A_160 : i32
      %select_n3A_162 = arith.constant true
      %select_n3A_163 = arith.select %select_n3A_162, %add3A_161, %select_n3A_148 : i32
      %eq3A_164 = arith.constant 79 : i32
      %eq3A_165 = arith.cmpi eq, %select_n3A_163, %eq3A_164 : i32
      %select_n3A_166 = arith.constant 0 : i32
      %select_n3A_167 = arith.select %eq3A_165, %select_n3A_166, %select_n3A_163 : i32
      %select_n3A_168 = arith.constant 0 : i32
      %select_n3A_169 = arith.constant 1 : i32
      %select_n3A_170 = arith.select %eq3A_165, %select_n3A_169, %select_n3A_168 : i32
      %eq3A_171 = arith.constant 1 : i32
      %eq3A_172 = arith.cmpi eq, %select_n3A_170, %eq3A_171 : i32
      %select_n3A_173 = arith.constant 0 : i32
      %select_n3A_174 = arith.select %eq3A_172, %select_n3A_173, %select_n3A_170 : i32
      %add3A_175 = arith.constant 0 : i32
      %add3A_176 = arith.addi %add3A_175, %mul3A_6 : i32
      %add3A_177 = arith.constant 0 : i32
      %add3A_178 = arith.addi %select_n3A_167, %add3A_177 : i32
      "tpu.trace_start"() <{level = 10 : i32, message = "ep_finalize"}> : () -> ()
      %rem3A_179 = arith.constant 2 : i32
      %rem3A_180 = arith.remui %scan3A_102#3, %rem3A_179 : i32
      %mul3A_181 = arith.constant 79 : i32
      %mul3A_182 = arith.muli %add3A_119, %mul3A_181 : i32
      %add3A_183 = arith.addi %mul3A_182, %add3A_121 : i32
      %mul3A_184 = arith.constant 128 : i32
      %mul3A_185 = arith.muli %mul3A_184, %add3A_183 : i32
      %dma_wait3A = arith.constant 0 : i32
      %dma_wait3A_186 = arith.constant 0 : i32
      %dma_wait3A_187 = tpu.memref_slice %run_scoped3A_8[%rem3A_180, %dma_wait3A, %dma_wait3A_186] : memref<2x128x128xf32, #tpu.memory_space<vmem>> -> memref<1x128x128xf32, #tpu.memory_space<vmem>>
      %dma_wait3A_188 = tpu.memref_squeeze %dma_wait3A_187 : memref<1x128x128xf32, #tpu.memory_space<vmem>> -> memref<128x128xf32, #tpu.memory_space<vmem>>
      %dma_wait3A_189 = arith.constant 0 : i32
      %dma_wait3A_190 = tpu.memref_slice %arg4[%mul3A_185, %dma_wait3A_189] : memref<323584x128xf32, #tpu.memory_space<hbm>> -> memref<128x128xf32, #tpu.memory_space<hbm>>
      %dma_wait3A_191 = tpu.memref_slice %run_scoped3A_9[%rem3A_180] : memref<2x!tpu.dma_semaphore, #tpu.memory_space<semaphore_mem>> -> memref<1x!tpu.dma_semaphore, #tpu.memory_space<semaphore_mem>>
      %dma_wait3A_192 = tpu.memref_squeeze %dma_wait3A_191 : memref<1x!tpu.dma_semaphore, #tpu.memory_space<semaphore_mem>> -> memref<!tpu.dma_semaphore, #tpu.memory_space<semaphore_mem>>
      %dma_wait3A_193 = arith.constant 0 : i32
      %dma_wait3A_194 = tpu.memref_slice %arg4[%mul3A_185, %dma_wait3A_193] : memref<323584x128xf32, #tpu.memory_space<hbm>> -> memref<128x128xf32, #tpu.memory_space<hbm>>
      %dma_wait3A_195 = arith.constant 0 : i32
      %dma_wait3A_196 = arith.constant 0 : i32
      %dma_wait3A_197 = tpu.memref_slice %run_scoped3A_8[%rem3A_180, %dma_wait3A_195, %dma_wait3A_196] : memref<2x128x128xf32, #tpu.memory_space<vmem>> -> memref<1x128x128xf32, #tpu.memory_space<vmem>>
      %dma_wait3A_198 = tpu.memref_squeeze %dma_wait3A_197 : memref<1x128x128xf32, #tpu.memory_space<vmem>> -> memref<128x128xf32, #tpu.memory_space<vmem>>
      tpu.wait_dma2 semaphore(%dma_wait3A_192 : memref<!tpu.dma_semaphore, #tpu.memory_space<semaphore_mem>>) src(%dma_wait3A_198 : memref<128x128xf32, #tpu.memory_space<vmem>>) dst(%dma_wait3A_194 : memref<128x128xf32, #tpu.memory_space<hbm>>)
      "tpu.trace_stop"() : () -> ()
      tpu.yield
    }) : () -> ()
    return
  }
}

module attributes {stable_mosaic.version = 14 : i64} {
  func.func @_atom_body(%arg0: i32, %arg1: memref<200x128xf32, #tpu.memory_space<vmem>>, %arg2: memref<6400x128xf32, #tpu.memory_space<vmem>>, %arg3: memref<6400x16xf32, #tpu.memory_space<vmem>>, %arg4: memref<1x1x200xi32, #tpu.memory_space<vmem>>, %arg5: memref<128x16xf32, #tpu.memory_space<vmem>>, %arg6: memref<128x256xf32, #tpu.memory_space<vmem>>, %arg7: memref<128x256xf32, #tpu.memory_space<vmem>>, %arg8: memref<16x256xf32, #tpu.memory_space<vmem>>, %arg9: memref<16x256xf32, #tpu.memory_space<vmem>>, %arg10: memref<1x256xf32, #tpu.memory_space<vmem>>, %arg11: memref<128x16xf32, #tpu.memory_space<vmem>>, %arg12: memref<200x128xf32, #tpu.memory_space<vmem>>, %arg13: memref<200x16xf32, #tpu.memory_space<vmem>>, %arg14: memref<128x128xf32, #tpu.memory_space<vmem>>) attributes {dimension_semantics = [#tpu.dimension_semantics<arbitrary>], iteration_bounds = array<i64: 50>, scalar_prefetch = 0 : i64, scratch_operands = 0 : i64, tpu.core_type = #tpu.core_type<tc>, window_params = [{transform_indices = @transform_0, window_bounds = array<i64: 200, 128>}, {transform_indices = @transform_1, window_bounds = array<i64: 6400, 128>}, {transform_indices = @transform_2, window_bounds = array<i64: 6400, 16>}, {transform_indices = @transform_3, window_bounds = array<i64: 1, 1, 200>}, {pipeline_mode = #tpu.pipeline_mode<synchronous>, transform_indices = @transform_4, window_bounds = array<i64: 128, 16>}, {pipeline_mode = #tpu.pipeline_mode<synchronous>, transform_indices = @transform_5, window_bounds = array<i64: 128, 256>}, {pipeline_mode = #tpu.pipeline_mode<synchronous>, transform_indices = @transform_6, window_bounds = array<i64: 128, 256>}, {pipeline_mode = #tpu.pipeline_mode<synchronous>, transform_indices = @transform_7, window_bounds = array<i64: 16, 256>}, {pipeline_mode = #tpu.pipeline_mode<synchronous>, transform_indices = @transform_8, window_bounds = array<i64: 16, 256>}, {pipeline_mode = #tpu.pipeline_mode<synchronous>, transform_indices = @transform_9, window_bounds = array<i64: 1, 256>}, {pipeline_mode = #tpu.pipeline_mode<synchronous>, transform_indices = @transform_10, window_bounds = array<i64: 128, 16>}, {transform_indices = @transform_11, window_bounds = array<i64: 200, 128>}, {transform_indices = @transform_12, window_bounds = array<i64: 200, 16>}, {pipeline_mode = #tpu.pipeline_mode<synchronous>, transform_indices = @transform_13, window_bounds = array<i64: 128, 128>}]} {
    %get3A = arith.constant 0 : index
    %get3A_0 = arith.constant 0 : index
    %get3A_1 = vector.load %arg1[%get3A, %get3A_0] : memref<200x128xf32, #tpu.memory_space<vmem>>, vector<200x128xf32>
    %get3A_2 = arith.constant 0 : index
    %get3A_3 = arith.constant 0 : index
    %get3A_4 = vector.load %arg2[%get3A_2, %get3A_3] : memref<6400x128xf32, #tpu.memory_space<vmem>>, vector<6400x128xf32>
    %get3A_5 = arith.constant 0 : index
    %get3A_6 = arith.constant 0 : index
    %get3A_7 = vector.load %arg3[%get3A_5, %get3A_6] : memref<6400x16xf32, #tpu.memory_space<vmem>>, vector<6400x16xf32>
    %get3A_8 = arith.constant 0 : index
    %get3A_9 = arith.constant 0 : index
    %get3A_10 = arith.constant 0 : index
    %get3A_11 = vector.load %arg4[%get3A_8, %get3A_9, %get3A_10] : memref<1x1x200xi32, #tpu.memory_space<vmem>>, vector<1x1x200xi32>
    %get3A_12 = vector.shape_cast %get3A_11 : vector<1x1x200xi32> to vector<200xi32>
    %broadcast_in_dim3A = vector.shape_cast %get3A_12 : vector<200xi32> to vector<200x1xi32>
    %iota3A = tpu.iota {dimensions = array<i32: 1>} : vector<200x128xi32>
    %eq3A = vector.broadcast %broadcast_in_dim3A : vector<200x1xi32> to vector<200x128xi32>
    %eq3A_13 = arith.cmpi eq, %eq3A, %iota3A : vector<200x128xi32>
    %convert_element_type3A = arith.extui %eq3A_13 : vector<200x128xi1> to vector<200x128xi32>
    %convert_element_type3A_14 = arith.sitofp %convert_element_type3A : vector<200x128xi32> to vector<200x128xf32>
    %convert_element_type3A_15 = arith.truncf %get3A_4 : vector<6400x128xf32> to vector<6400x128xbf16>
    %get3A_16 = arith.constant 0 : index
    %get3A_17 = arith.constant 0 : index
    %get3A_18 = vector.load %arg7[%get3A_16, %get3A_17] : memref<128x256xf32, #tpu.memory_space<vmem>>, vector<128x256xf32>
    %convert_element_type3A_19 = arith.truncf %get3A_18 : vector<128x256xf32> to vector<128x256xbf16>
    %dot_general3A = arith.constant dense<0.000000e+00> : vector<6400x256xf32>
    %dot_general3A_20 = tpu.matmul %convert_element_type3A_15, %convert_element_type3A_19, %dot_general3A {dimension_numbers = #tpu.dot_dimension_numbers<[1], [0], [0], [1], [0, 0, 1, 1], [], []>, transpose_lhs_hint = false} : vector<6400x128xbf16>, vector<128x256xbf16>, vector<6400x256xf32> -> vector<6400x256xf32>
    %get3A_21 = arith.constant 0 : index
    %get3A_22 = arith.constant 0 : index
    %get3A_23 = vector.load %arg8[%get3A_21, %get3A_22] : memref<16x256xf32, #tpu.memory_space<vmem>>, vector<16x256xf32>
    %dot_general3A_24 = arith.constant dense<0.000000e+00> : vector<6400x256xf32>
    %dot_general3A_25 = tpu.matmul %get3A_7, %get3A_23, %dot_general3A_24 {dimension_numbers = #tpu.dot_dimension_numbers<[1], [0], [0], [1], [0, 0, 1, 1], [], []>, transpose_lhs_hint = false} : vector<6400x16xf32>, vector<16x256xf32>, vector<6400x256xf32> -> vector<6400x256xf32>
    %add3A = arith.addf %dot_general3A_20, %dot_general3A_25 : vector<6400x256xf32>
    %get3A_26 = arith.constant 0 : index
    %get3A_27 = arith.constant 0 : index
    %get3A_28 = vector.load %arg5[%get3A_26, %get3A_27] : memref<128x16xf32, #tpu.memory_space<vmem>>, vector<128x16xf32>
    %get3A_29 = arith.constant 0 : index
    %get3A_30 = arith.constant 0 : index
    %get3A_31 = vector.load %arg9[%get3A_29, %get3A_30] : memref<16x256xf32, #tpu.memory_space<vmem>>, vector<16x256xf32>
    %dot_general3A_32 = arith.constant dense<0.000000e+00> : vector<128x256xf32>
    %dot_general3A_33 = tpu.matmul %get3A_28, %get3A_31, %dot_general3A_32 {dimension_numbers = #tpu.dot_dimension_numbers<[1], [0], [0], [1], [0, 0, 1, 1], [], []>, transpose_lhs_hint = false} : vector<128x16xf32>, vector<16x256xf32>, vector<128x256xf32> -> vector<128x256xf32>
    %get3A_34 = arith.constant 0 : index
    %get3A_35 = arith.constant 0 : index
    %get3A_36 = vector.load %arg6[%get3A_34, %get3A_35] : memref<128x256xf32, #tpu.memory_space<vmem>>, vector<128x256xf32>
    %dot_general3A_37 = arith.constant dense<0.000000e+00> : vector<200x256xf32>
    %dot_general3A_38 = tpu.matmul %get3A_1, %get3A_36, %dot_general3A_37 {dimension_numbers = #tpu.dot_dimension_numbers<[1], [0], [0], [1], [0, 0, 1, 1], [], []>, transpose_lhs_hint = false} : vector<200x128xf32>, vector<128x256xf32>, vector<200x256xf32> -> vector<200x256xf32>
    %dot_general3A_39 = arith.constant dense<0.000000e+00> : vector<200x256xf32>
    %dot_general3A_40 = tpu.matmul %convert_element_type3A_14, %dot_general3A_33, %dot_general3A_39 {dimension_numbers = #tpu.dot_dimension_numbers<[1], [0], [0], [1], [0, 0, 1, 1], [], []>, transpose_lhs_hint = false} : vector<200x128xf32>, vector<128x256xf32>, vector<200x256xf32> -> vector<200x256xf32>
    %add3A_41 = arith.addf %dot_general3A_38, %dot_general3A_40 : vector<200x256xf32>
    %get3A_42 = arith.constant 0 : index
    %get3A_43 = arith.constant 0 : index
    %get3A_44 = vector.load %arg10[%get3A_42, %get3A_43] : memref<1x256xf32, #tpu.memory_space<vmem>>, vector<1x256xf32>
    %add3A_45 = vector.broadcast %get3A_44 : vector<1x256xf32> to vector<200x256xf32>
    %add3A_46 = arith.addf %add3A_41, %add3A_45 : vector<200x256xf32>
    %reshape3A = vector.shape_cast %add3A : vector<6400x256xf32> to vector<200x32x256xf32>
    %broadcast_in_dim3A_47 = vector.shape_cast %add3A_46 : vector<200x256xf32> to vector<200x1x256xf32>
    %add3A_48 = vector.broadcast %broadcast_in_dim3A_47 : vector<200x1x256xf32> to vector<200x32x256xf32>
    %add3A_49 = arith.addf %reshape3A, %add3A_48 : vector<200x32x256xf32>
    %convert_element_type3A_50 = arith.truncf %add3A_49 : vector<200x32x256xf32> to vector<200x32x256xbf16>
    %slice3A = vector.extract_strided_slice %convert_element_type3A_50 {offsets = [0, 0, 0], sizes = [200, 32, 128], strides = [1, 1, 1]} : vector<200x32x256xbf16> to vector<200x32x128xbf16>
    %slice3A_51 = vector.extract_strided_slice %convert_element_type3A_50 {offsets = [0, 0, 128], sizes = [200, 32, 128], strides = [1, 1, 1]} : vector<200x32x256xbf16> to vector<200x32x128xbf16>
    %logistic3A = arith.negf %slice3A : vector<200x32x128xbf16>
    %logistic3A_52 = math.exp %logistic3A : vector<200x32x128xbf16>
    %logistic3A_53 = arith.constant 1.000000e+00 : bf16
    %logistic3A_54 = vector.broadcast %logistic3A_53 : bf16 to vector<200x32x128xbf16>
    %logistic3A_55 = arith.addf %logistic3A_54, %logistic3A_52 : vector<200x32x128xbf16>
    %logistic3A_56 = arith.divf %logistic3A_54, %logistic3A_55 : vector<200x32x128xbf16>
    %max3A = arith.constant 0.000000e+00 : bf16
    %max3A_57 = vector.broadcast %max3A : bf16 to vector<200x32x128xbf16>
    %max3A_58 = arith.maximumf %slice3A_51, %max3A_57 : vector<200x32x128xbf16>
    %abs3A = math.absf %slice3A_51 : vector<200x32x128xbf16>
    %neg3A = arith.constant 0.000000e+00 : bf16
    %neg3A_59 = vector.broadcast %neg3A : bf16 to vector<200x32x128xbf16>
    %neg3A_60 = arith.subf %neg3A_59, %abs3A : vector<200x32x128xbf16>
    %exp3A = math.exp %neg3A_60 : vector<200x32x128xbf16>
    %log1p3A = math.log1p %exp3A : vector<200x32x128xbf16>
    %add3A_61 = arith.addf %max3A_58, %log1p3A : vector<200x32x128xbf16>
    %mul3A = arith.mulf %logistic3A_56, %add3A_61 : vector<200x32x128xbf16>
    %convert_element_type3A_62 = arith.extf %mul3A : vector<200x32x128xbf16> to vector<200x32x128xf32>
    %reduce_sum3A = arith.constant dense<0.000000e+00> : vector<200x128xf32>
    %reduce_sum3A_63 = vector.multi_reduction <add>, %convert_element_type3A_62, %reduce_sum3A [1] : vector<200x32x128xf32> to vector<200x128xf32>
    %add3A_64 = arith.addf %get3A_1, %reduce_sum3A_63 : vector<200x128xf32>
    %max3A_65 = arith.constant 0.000000e+00 : f32
    %max3A_66 = vector.broadcast %max3A_65 : f32 to vector<200x128xf32>
    %max3A_67 = arith.maximumf %add3A_64, %max3A_66 : vector<200x128xf32>
    %abs3A_68 = math.absf %add3A_64 : vector<200x128xf32>
    %neg3A_69 = arith.constant 0.000000e+00 : f32
    %neg3A_70 = vector.broadcast %neg3A_69 : f32 to vector<200x128xf32>
    %neg3A_71 = arith.subf %neg3A_70, %abs3A_68 : vector<200x128xf32>
    %exp3A_72 = math.exp %neg3A_71 : vector<200x128xf32>
    %log1p3A_73 = math.log1p %exp3A_72 : vector<200x128xf32>
    %add3A_74 = arith.addf %max3A_67, %log1p3A_73 : vector<200x128xf32>
    %swap3A = arith.constant 0 : index
    %swap3A_75 = arith.constant 0 : index
    %swap3A_76 = vector.load %arg12[%swap3A, %swap3A_75] : memref<200x128xf32, #tpu.memory_space<vmem>>, vector<200x128xf32>
    tpu.vector_store %arg12[%swap3A, %swap3A_75], %add3A_74 {strides = array<i32>} : memref<200x128xf32, #tpu.memory_space<vmem>>, vector<200x128xf32>,
    %get3A_77 = arith.constant 0 : index
    %get3A_78 = arith.constant 0 : index
    %get3A_79 = vector.load %arg11[%get3A_77, %get3A_78] : memref<128x16xf32, #tpu.memory_space<vmem>>, vector<128x16xf32>
    %dot_general3A_80 = arith.constant dense<0.000000e+00> : vector<200x16xf32>
    %dot_general3A_81 = tpu.matmul %add3A_74, %get3A_79, %dot_general3A_80 {dimension_numbers = #tpu.dot_dimension_numbers<[1], [0], [0], [1], [0, 0, 1, 1], [], []>, transpose_lhs_hint = false} : vector<200x128xf32>, vector<128x16xf32>, vector<200x16xf32> -> vector<200x16xf32>
    %swap3A_82 = arith.constant 0 : index
    %swap3A_83 = arith.constant 0 : index
    %swap3A_84 = vector.load %arg13[%swap3A_82, %swap3A_83] : memref<200x16xf32, #tpu.memory_space<vmem>>, vector<200x16xf32>
    tpu.vector_store %arg13[%swap3A_82, %swap3A_83], %dot_general3A_81 {strides = array<i32>} : memref<200x16xf32, #tpu.memory_space<vmem>>, vector<200x16xf32>,
    %iota3A_85 = tpu.iota {dimensions = array<i32: 0>} : vector<128x200xi32>
    %broadcast_in_dim3A_86 = vector.shape_cast %get3A_12 : vector<200xi32> to vector<1x200xi32>
    %eq3A_87 = vector.broadcast %broadcast_in_dim3A_86 : vector<1x200xi32> to vector<128x200xi32>
    %eq3A_88 = arith.cmpi eq, %iota3A_85, %eq3A_87 : vector<128x200xi32>
    %convert_element_type3A_89 = arith.extui %eq3A_88 : vector<128x200xi1> to vector<128x200xi32>
    %convert_element_type3A_90 = arith.sitofp %convert_element_type3A_89 : vector<128x200xi32> to vector<128x200xf32>
    %eq3A_91 = arith.constant 0 : i32
    %eq3A_92 = arith.cmpi eq, %arg0, %eq3A_91 : i32
    %convert_element_type3A_93 = arith.extui %eq3A_92 : i1 to i32
    %cond3A = arith.constant 0 : i32
    %cond3A_94 = arith.cmpi ne, %convert_element_type3A_93, %cond3A : i32
    scf.if %cond3A_94 {
      %broadcast_in_dim3A_104 = arith.constant 0.000000e+00 : f32
      %broadcast_in_dim3A_105 = vector.broadcast %broadcast_in_dim3A_104 : f32 to vector<128x128xf32>
      %swap3A_106 = arith.constant 0 : index
      %swap3A_107 = arith.constant 0 : index
      %swap3A_108 = vector.load %arg14[%swap3A_106, %swap3A_107] : memref<128x128xf32, #tpu.memory_space<vmem>>, vector<128x128xf32>
      tpu.vector_store %arg14[%swap3A_106, %swap3A_107], %broadcast_in_dim3A_105 {strides = array<i32>} : memref<128x128xf32, #tpu.memory_space<vmem>>, vector<128x128xf32>,
    } else {
    }
    %get3A_95 = arith.constant 0 : index
    %get3A_96 = arith.constant 0 : index
    %get3A_97 = vector.load %arg14[%get3A_95, %get3A_96] : memref<128x128xf32, #tpu.memory_space<vmem>>, vector<128x128xf32>
    %dot_general3A_98 = arith.constant dense<0.000000e+00> : vector<128x128xf32>
    %dot_general3A_99 = tpu.matmul %convert_element_type3A_90, %add3A_74, %dot_general3A_98 {dimension_numbers = #tpu.dot_dimension_numbers<[1], [0], [0], [1], [0, 0, 1, 1], [], []>, transpose_lhs_hint = false} : vector<128x200xf32>, vector<200x128xf32>, vector<128x128xf32> -> vector<128x128xf32>
    %add3A_100 = arith.addf %get3A_97, %dot_general3A_99 : vector<128x128xf32>
    %swap3A_101 = arith.constant 0 : index
    %swap3A_102 = arith.constant 0 : index
    %swap3A_103 = vector.load %arg14[%swap3A_101, %swap3A_102] : memref<128x128xf32, #tpu.memory_space<vmem>>, vector<128x128xf32>
    tpu.vector_store %arg14[%swap3A_101, %swap3A_102], %add3A_100 {strides = array<i32>} : memref<128x128xf32, #tpu.memory_space<vmem>>, vector<128x128xf32>,
    return
  }
  func.func @transform_0(%arg0: i32) -> (i32, i32) {
    %c0_i32 = arith.constant 0 : i32
    %c0_i32_0 = arith.constant 0 : i32
    return %arg0, %c0_i32 : i32, i32
  }
  func.func @transform_1(%arg0: i32) -> (i32, i32) {
    %c0_i32 = arith.constant 0 : i32
    %c0_i32_0 = arith.constant 0 : i32
    return %arg0, %c0_i32 : i32, i32
  }
  func.func @transform_2(%arg0: i32) -> (i32, i32) {
    %c0_i32 = arith.constant 0 : i32
    %c0_i32_0 = arith.constant 0 : i32
    return %arg0, %c0_i32 : i32, i32
  }
  func.func @transform_3(%arg0: i32) -> (i32, i32, i32) {
    %c0_i32 = arith.constant 0 : i32
    %c0_i32_0 = arith.constant 0 : i32
    %c0_i32_1 = arith.constant 0 : i32
    return %arg0, %c0_i32, %c0_i32_0 : i32, i32, i32
  }
  func.func @transform_4(%arg0: i32) -> (i32, i32) {
    %c0_i32 = arith.constant 0 : i32
    %c0_i32_0 = arith.constant 0 : i32
    %c0_i32_1 = arith.constant 0 : i32
    return %c0_i32, %c0_i32_0 : i32, i32
  }
  func.func @transform_5(%arg0: i32) -> (i32, i32) {
    %c0_i32 = arith.constant 0 : i32
    %c0_i32_0 = arith.constant 0 : i32
    %c0_i32_1 = arith.constant 0 : i32
    return %c0_i32, %c0_i32_0 : i32, i32
  }
  func.func @transform_6(%arg0: i32) -> (i32, i32) {
    %c0_i32 = arith.constant 0 : i32
    %c0_i32_0 = arith.constant 0 : i32
    %c0_i32_1 = arith.constant 0 : i32
    return %c0_i32, %c0_i32_0 : i32, i32
  }
  func.func @transform_7(%arg0: i32) -> (i32, i32) {
    %c0_i32 = arith.constant 0 : i32
    %c0_i32_0 = arith.constant 0 : i32
    %c0_i32_1 = arith.constant 0 : i32
    return %c0_i32, %c0_i32_0 : i32, i32
  }
  func.func @transform_8(%arg0: i32) -> (i32, i32) {
    %c0_i32 = arith.constant 0 : i32
    %c0_i32_0 = arith.constant 0 : i32
    %c0_i32_1 = arith.constant 0 : i32
    return %c0_i32, %c0_i32_0 : i32, i32
  }
  func.func @transform_9(%arg0: i32) -> (i32, i32) {
    %c0_i32 = arith.constant 0 : i32
    %c0_i32_0 = arith.constant 0 : i32
    %c0_i32_1 = arith.constant 0 : i32
    return %c0_i32, %c0_i32_0 : i32, i32
  }
  func.func @transform_10(%arg0: i32) -> (i32, i32) {
    %c0_i32 = arith.constant 0 : i32
    %c0_i32_0 = arith.constant 0 : i32
    %c0_i32_1 = arith.constant 0 : i32
    return %c0_i32, %c0_i32_0 : i32, i32
  }
  func.func @transform_11(%arg0: i32) -> (i32, i32) {
    %c0_i32 = arith.constant 0 : i32
    %c0_i32_0 = arith.constant 0 : i32
    return %arg0, %c0_i32 : i32, i32
  }
  func.func @transform_12(%arg0: i32) -> (i32, i32) {
    %c0_i32 = arith.constant 0 : i32
    %c0_i32_0 = arith.constant 0 : i32
    return %arg0, %c0_i32 : i32, i32
  }
  func.func @transform_13(%arg0: i32) -> (i32, i32) {
    %c0_i32 = arith.constant 0 : i32
    %c0_i32_0 = arith.constant 0 : i32
    %c0_i32_1 = arith.constant 0 : i32
    return %c0_i32, %c0_i32_0 : i32, i32
  }
}

module attributes {stable_mosaic.version = 14 : i64} {
  func.func @_bond_body(%arg0: i32, %arg1: memref<6400x16xf32, #tpu.memory_space<vmem>>, %arg2: memref<6400x128xf32, #tpu.memory_space<vmem>>, %arg3: memref<200x16xf32, #tpu.memory_space<vmem>>, %arg4: memref<1x1x200xi32, #tpu.memory_space<vmem>>, %arg5: memref<128x16xf32, #tpu.memory_space<vmem>>, %arg6: memref<128x128xf32, #tpu.memory_space<vmem>>, %arg7: memref<128x16xf32, #tpu.memory_space<vmem>>, %arg8: memref<16x16xf32, #tpu.memory_space<vmem>>, %arg9: memref<16x16xf32, #tpu.memory_space<vmem>>, %arg10: memref<1x16xf32, #tpu.memory_space<vmem>>, %arg11: memref<128x16xf32, #tpu.memory_space<vmem>>, %arg12: memref<16x16xf32, #tpu.memory_space<vmem>>, %arg13: memref<16x16xf32, #tpu.memory_space<vmem>>, %arg14: memref<1x16xf32, #tpu.memory_space<vmem>>, %arg15: memref<200x32x16xf32, #tpu.memory_space<vmem>>, %arg16: memref<128x16xf32, #tpu.memory_space<vmem>>, %arg17: memref<128x16xf32, #tpu.memory_space<vmem>>, %arg18: memref<128x128xf32, #tpu.memory_space<vmem>>) attributes {dimension_semantics = [#tpu.dimension_semantics<arbitrary>], iteration_bounds = array<i64: 50>, scalar_prefetch = 0 : i64, scratch_operands = 2 : i64, tpu.core_type = #tpu.core_type<tc>, window_params = [{transform_indices = @transform_0, window_bounds = array<i64: 6400, 16>}, {transform_indices = @transform_1, window_bounds = array<i64: 6400, 128>}, {transform_indices = @transform_2, window_bounds = array<i64: 200, 16>}, {transform_indices = @transform_3, window_bounds = array<i64: 1, 1, 200>}, {pipeline_mode = #tpu.pipeline_mode<synchronous>, transform_indices = @transform_4, window_bounds = array<i64: 128, 16>}, {pipeline_mode = #tpu.pipeline_mode<synchronous>, transform_indices = @transform_5, window_bounds = array<i64: 128, 128>}, {pipeline_mode = #tpu.pipeline_mode<synchronous>, transform_indices = @transform_6, window_bounds = array<i64: 128, 16>}, {pipeline_mode = #tpu.pipeline_mode<synchronous>, transform_indices = @transform_7, window_bounds = array<i64: 16, 16>}, {pipeline_mode = #tpu.pipeline_mode<synchronous>, transform_indices = @transform_8, window_bounds = array<i64: 16, 16>}, {pipeline_mode = #tpu.pipeline_mode<synchronous>, transform_indices = @transform_9, window_bounds = array<i64: 1, 16>}, {pipeline_mode = #tpu.pipeline_mode<synchronous>, transform_indices = @transform_10, window_bounds = array<i64: 128, 16>}, {pipeline_mode = #tpu.pipeline_mode<synchronous>, transform_indices = @transform_11, window_bounds = array<i64: 16, 16>}, {pipeline_mode = #tpu.pipeline_mode<synchronous>, transform_indices = @transform_12, window_bounds = array<i64: 16, 16>}, {pipeline_mode = #tpu.pipeline_mode<synchronous>, transform_indices = @transform_13, window_bounds = array<i64: 1, 16>}, {transform_indices = @transform_14, window_bounds = array<i64: 200, 32, 16>}, {pipeline_mode = #tpu.pipeline_mode<synchronous>, transform_indices = @transform_15, window_bounds = array<i64: 128, 16>}]} {
    %get3A = arith.constant 0 : index
    %get3A_0 = arith.constant 0 : index
    %get3A_1 = vector.load %arg1[%get3A, %get3A_0] : memref<6400x16xf32, #tpu.memory_space<vmem>>, vector<6400x16xf32>
    %get3A_2 = arith.constant 0 : index
    %get3A_3 = arith.constant 0 : index
    %get3A_4 = vector.load %arg2[%get3A_2, %get3A_3] : memref<6400x128xf32, #tpu.memory_space<vmem>>, vector<6400x128xf32>
    %convert_element_type3A = arith.truncf %get3A_4 : vector<6400x128xf32> to vector<6400x128xbf16>
    %get3A_5 = arith.constant 0 : index
    %get3A_6 = arith.constant 0 : index
    %get3A_7 = vector.load %arg7[%get3A_5, %get3A_6] : memref<128x16xf32, #tpu.memory_space<vmem>>, vector<128x16xf32>
    %convert_element_type3A_8 = arith.truncf %get3A_7 : vector<128x16xf32> to vector<128x16xbf16>
    %dot_general3A = arith.constant dense<0.000000e+00> : vector<6400x16xf32>
    %dot_general3A_9 = tpu.matmul %convert_element_type3A, %convert_element_type3A_8, %dot_general3A {dimension_numbers = #tpu.dot_dimension_numbers<[1], [0], [0], [1], [0, 0, 1, 1], [], []>, transpose_lhs_hint = false} : vector<6400x128xbf16>, vector<128x16xbf16>, vector<6400x16xf32> -> vector<6400x16xf32>
    %get3A_10 = arith.constant 0 : index
    %get3A_11 = arith.constant 0 : index
    %get3A_12 = arith.constant 0 : index
    %get3A_13 = vector.load %arg4[%get3A_10, %get3A_11, %get3A_12] : memref<1x1x200xi32, #tpu.memory_space<vmem>>, vector<1x1x200xi32>
    %get3A_14 = vector.shape_cast %get3A_13 : vector<1x1x200xi32> to vector<200xi32>
    %broadcast_in_dim3A = vector.shape_cast %get3A_14 : vector<200xi32> to vector<200x1xi32>
    %iota3A = tpu.iota {dimensions = array<i32: 1>} : vector<200x128xi32>
    %eq3A = vector.broadcast %broadcast_in_dim3A : vector<200x1xi32> to vector<200x128xi32>
    %eq3A_15 = arith.cmpi eq, %eq3A, %iota3A : vector<200x128xi32>
    %convert_element_type3A_16 = arith.extui %eq3A_15 : vector<200x128xi1> to vector<200x128xi32>
    %convert_element_type3A_17 = arith.sitofp %convert_element_type3A_16 : vector<200x128xi32> to vector<200x128xf32>
    %iota3A_18 = tpu.iota {dimensions = array<i32: 0>} : vector<128x200xi32>
    %broadcast_in_dim3A_19 = vector.shape_cast %get3A_14 : vector<200xi32> to vector<1x200xi32>
    %eq3A_20 = vector.broadcast %broadcast_in_dim3A_19 : vector<1x200xi32> to vector<128x200xi32>
    %eq3A_21 = arith.cmpi eq, %iota3A_18, %eq3A_20 : vector<128x200xi32>
    %convert_element_type3A_22 = arith.extui %eq3A_21 : vector<128x200xi1> to vector<128x200xi32>
    %convert_element_type3A_23 = arith.sitofp %convert_element_type3A_22 : vector<128x200xi32> to vector<128x200xf32>
    %get3A_24 = arith.constant 0 : index
    %get3A_25 = arith.constant 0 : index
    %get3A_26 = vector.load %arg3[%get3A_24, %get3A_25] : memref<200x16xf32, #tpu.memory_space<vmem>>, vector<200x16xf32>
    %get3A_27 = arith.constant 0 : index
    %get3A_28 = arith.constant 0 : index
    %get3A_29 = vector.load %arg5[%get3A_27, %get3A_28] : memref<128x16xf32, #tpu.memory_space<vmem>>, vector<128x16xf32>
    %get3A_30 = arith.constant 0 : index
    %get3A_31 = arith.constant 0 : index
    %get3A_32 = vector.load %arg9[%get3A_30, %get3A_31] : memref<16x16xf32, #tpu.memory_space<vmem>>, vector<16x16xf32>
    %dot_general3A_33 = arith.constant dense<0.000000e+00> : vector<128x16xf32>
    %dot_general3A_34 = tpu.matmul %get3A_29, %get3A_32, %dot_general3A_33 {dimension_numbers = #tpu.dot_dimension_numbers<[1], [0], [0], [1], [0, 0, 1, 1], [], []>, transpose_lhs_hint = false} : vector<128x16xf32>, vector<16x16xf32>, vector<128x16xf32> -> vector<128x16xf32>
    %dot_general3A_35 = arith.constant dense<0.000000e+00> : vector<200x16xf32>
    %dot_general3A_36 = tpu.matmul %convert_element_type3A_17, %dot_general3A_34, %dot_general3A_35 {dimension_numbers = #tpu.dot_dimension_numbers<[1], [0], [0], [1], [0, 0, 1, 1], [], []>, transpose_lhs_hint = false} : vector<200x128xf32>, vector<128x16xf32>, vector<200x16xf32> -> vector<200x16xf32>
    %add3A = arith.addf %get3A_26, %dot_general3A_36 : vector<200x16xf32>
    %get3A_37 = arith.constant 0 : index
    %get3A_38 = arith.constant 0 : index
    %get3A_39 = vector.load %arg10[%get3A_37, %get3A_38] : memref<1x16xf32, #tpu.memory_space<vmem>>, vector<1x16xf32>
    %add3A_40 = vector.broadcast %get3A_39 : vector<1x16xf32> to vector<200x16xf32>
    %add3A_41 = arith.addf %add3A, %add3A_40 : vector<200x16xf32>
    %get3A_42 = arith.constant 0 : index
    %get3A_43 = arith.constant 0 : index
    %get3A_44 = vector.load %arg8[%get3A_42, %get3A_43] : memref<16x16xf32, #tpu.memory_space<vmem>>, vector<16x16xf32>
    %dot_general3A_45 = arith.constant dense<0.000000e+00> : vector<6400x16xf32>
    %dot_general3A_46 = tpu.matmul %get3A_1, %get3A_44, %dot_general3A_45 {dimension_numbers = #tpu.dot_dimension_numbers<[1], [0], [0], [1], [0, 0, 1, 1], [], []>, transpose_lhs_hint = false} : vector<6400x16xf32>, vector<16x16xf32>, vector<6400x16xf32> -> vector<6400x16xf32>
    %add3A_47 = arith.addf %dot_general3A_46, %dot_general3A_9 : vector<6400x16xf32>
    %reshape3A = vector.shape_cast %get3A_1 : vector<6400x16xf32> to vector<200x32x16xf32>
    %reshape3A_48 = vector.shape_cast %add3A_47 : vector<6400x16xf32> to vector<200x32x16xf32>
    %broadcast_in_dim3A_49 = vector.shape_cast %add3A_41 : vector<200x16xf32> to vector<200x1x16xf32>
    %add3A_50 = vector.broadcast %broadcast_in_dim3A_49 : vector<200x1x16xf32> to vector<200x32x16xf32>
    %add3A_51 = arith.addf %reshape3A_48, %add3A_50 : vector<200x32x16xf32>
    %add3A_52 = arith.addf %reshape3A, %add3A_51 : vector<200x32x16xf32>
    %convert_element_type3A_53 = arith.truncf %add3A_52 : vector<200x32x16xf32> to vector<200x32x16xbf16>
    %max3A = arith.constant 0.000000e+00 : bf16
    %max3A_54 = vector.broadcast %max3A : bf16 to vector<200x32x16xbf16>
    %max3A_55 = arith.maximumf %convert_element_type3A_53, %max3A_54 : vector<200x32x16xbf16>
    %abs3A = math.absf %convert_element_type3A_53 : vector<200x32x16xbf16>
    %neg3A = arith.constant 0.000000e+00 : bf16
    %neg3A_56 = vector.broadcast %neg3A : bf16 to vector<200x32x16xbf16>
    %neg3A_57 = arith.subf %neg3A_56, %abs3A : vector<200x32x16xbf16>
    %exp3A = math.exp %neg3A_57 : vector<200x32x16xbf16>
    %log1p3A = math.log1p %exp3A : vector<200x32x16xbf16>
    %add3A_58 = arith.addf %max3A_55, %log1p3A : vector<200x32x16xbf16>
    %convert_element_type3A_59 = arith.extf %add3A_58 : vector<200x32x16xbf16> to vector<200x32x16xf32>
    %swap3A = arith.constant 0 : index
    %swap3A_60 = arith.constant 0 : index
    %swap3A_61 = arith.constant 0 : index
    %swap3A_62 = vector.load %arg15[%swap3A, %swap3A_60, %swap3A_61] : memref<200x32x16xf32, #tpu.memory_space<vmem>>, vector<200x32x16xf32>
    tpu.vector_store %arg15[%swap3A, %swap3A_60, %swap3A_61], %convert_element_type3A_59 {strides = array<i32>} : memref<200x32x16xf32, #tpu.memory_space<vmem>>, vector<200x32x16xf32>,
    %reduce_sum3A = arith.constant dense<0.000000e+00> : vector<200x16xf32>
    %reduce_sum3A_63 = vector.multi_reduction <add>, %convert_element_type3A_59, %reduce_sum3A [1] : vector<200x32x16xf32> to vector<200x16xf32>
    %mul3A = arith.constant 3.125000e-02 : f32
    %mul3A_64 = vector.broadcast %mul3A : f32 to vector<200x16xf32>
    %mul3A_65 = arith.mulf %reduce_sum3A_63, %mul3A_64 : vector<200x16xf32>
    %eq3A_66 = arith.constant 0 : i32
    %eq3A_67 = arith.cmpi eq, %arg0, %eq3A_66 : i32
    %convert_element_type3A_68 = arith.extui %eq3A_67 : i1 to i32
    %cond3A = arith.constant 0 : i32
    %cond3A_69 = arith.cmpi ne, %convert_element_type3A_68, %cond3A : i32
    scf.if %cond3A_69 {
      %broadcast_in_dim3A_95 = arith.constant 0.000000e+00 : f32
      %broadcast_in_dim3A_96 = vector.broadcast %broadcast_in_dim3A_95 : f32 to vector<128x16xf32>
      %swap3A_97 = arith.constant 0 : index
      %swap3A_98 = arith.constant 0 : index
      %swap3A_99 = vector.load %arg17[%swap3A_97, %swap3A_98] : memref<128x16xf32, #tpu.memory_space<vmem>>, vector<128x16xf32>
      tpu.vector_store %arg17[%swap3A_97, %swap3A_98], %broadcast_in_dim3A_96 {strides = array<i32>} : memref<128x16xf32, #tpu.memory_space<vmem>>, vector<128x16xf32>,
      %broadcast_in_dim3A_100 = arith.constant 0.000000e+00 : f32
      %broadcast_in_dim3A_101 = vector.broadcast %broadcast_in_dim3A_100 : f32 to vector<128x128xf32>
      %swap3A_102 = arith.constant 0 : index
      %swap3A_103 = arith.constant 0 : index
      %swap3A_104 = vector.load %arg18[%swap3A_102, %swap3A_103] : memref<128x128xf32, #tpu.memory_space<vmem>>, vector<128x128xf32>
      tpu.vector_store %arg18[%swap3A_102, %swap3A_103], %broadcast_in_dim3A_101 {strides = array<i32>} : memref<128x128xf32, #tpu.memory_space<vmem>>, vector<128x128xf32>,
    } else {
    }
    %get3A_70 = arith.constant 0 : index
    %get3A_71 = arith.constant 0 : index
    %get3A_72 = vector.load %arg17[%get3A_70, %get3A_71] : memref<128x16xf32, #tpu.memory_space<vmem>>, vector<128x16xf32>
    %dot_general3A_73 = arith.constant dense<0.000000e+00> : vector<128x16xf32>
    %dot_general3A_74 = tpu.matmul %convert_element_type3A_23, %mul3A_65, %dot_general3A_73 {dimension_numbers = #tpu.dot_dimension_numbers<[1], [0], [0], [1], [0, 0, 1, 1], [], []>, transpose_lhs_hint = false} : vector<128x200xf32>, vector<200x16xf32>, vector<128x16xf32> -> vector<128x16xf32>
    %add3A_75 = arith.addf %get3A_72, %dot_general3A_74 : vector<128x16xf32>
    %swap3A_76 = arith.constant 0 : index
    %swap3A_77 = arith.constant 0 : index
    %swap3A_78 = vector.load %arg17[%swap3A_76, %swap3A_77] : memref<128x16xf32, #tpu.memory_space<vmem>>, vector<128x16xf32>
    tpu.vector_store %arg17[%swap3A_76, %swap3A_77], %add3A_75 {strides = array<i32>} : memref<128x16xf32, #tpu.memory_space<vmem>>, vector<128x16xf32>,
    %get3A_79 = arith.constant 0 : index
    %get3A_80 = arith.constant 0 : index
    %get3A_81 = vector.load %arg18[%get3A_79, %get3A_80] : memref<128x128xf32, #tpu.memory_space<vmem>>, vector<128x128xf32>
    %broadcast_in_dim3A_82 = arith.constant 1.000000e+00 : f32
    %broadcast_in_dim3A_83 = vector.broadcast %broadcast_in_dim3A_82 : f32 to vector<200x128xf32>
    %dot_general3A_84 = arith.constant dense<0.000000e+00> : vector<128x128xf32>
    %dot_general3A_85 = tpu.matmul %convert_element_type3A_23, %broadcast_in_dim3A_83, %dot_general3A_84 {dimension_numbers = #tpu.dot_dimension_numbers<[1], [0], [0], [1], [0, 0, 1, 1], [], []>, transpose_lhs_hint = false} : vector<128x200xf32>, vector<200x128xf32>, vector<128x128xf32> -> vector<128x128xf32>
    %add3A_86 = arith.addf %get3A_81, %dot_general3A_85 : vector<128x128xf32>
    %swap3A_87 = arith.constant 0 : index
    %swap3A_88 = arith.constant 0 : index
    %swap3A_89 = vector.load %arg18[%swap3A_87, %swap3A_88] : memref<128x128xf32, #tpu.memory_space<vmem>>, vector<128x128xf32>
    tpu.vector_store %arg18[%swap3A_87, %swap3A_88], %add3A_86 {strides = array<i32>} : memref<128x128xf32, #tpu.memory_space<vmem>>, vector<128x128xf32>,
    %eq3A_90 = arith.constant 49 : i32
    %eq3A_91 = arith.cmpi eq, %arg0, %eq3A_90 : i32
    %convert_element_type3A_92 = arith.extui %eq3A_91 : i1 to i32
    %cond3A_93 = arith.constant 0 : i32
    %cond3A_94 = arith.cmpi ne, %convert_element_type3A_92, %cond3A_93 : i32
    scf.if %cond3A_94 {
      %get3A_95 = arith.constant 0 : index
      %get3A_96 = arith.constant 0 : index
      %get3A_97 = vector.load %arg18[%get3A_95, %get3A_96] : memref<128x128xf32, #tpu.memory_space<vmem>>, vector<128x128xf32>
      %max3A_98 = arith.constant 1.000000e+00 : f32
      %max3A_99 = vector.broadcast %max3A_98 : f32 to vector<128x128xf32>
      %max3A_100 = arith.maximumf %get3A_97, %max3A_99 : vector<128x128xf32>
      %get3A_101 = arith.constant 0 : index
      %get3A_102 = arith.constant 0 : index
      %get3A_103 = vector.load %arg6[%get3A_101, %get3A_102] : memref<128x128xf32, #tpu.memory_space<vmem>>, vector<128x128xf32>
      %div3A = arith.divf %get3A_103, %max3A_100 : vector<128x128xf32>
      %get3A_104 = arith.constant 0 : index
      %get3A_105 = arith.constant 0 : index
      %get3A_106 = vector.load %arg17[%get3A_104, %get3A_105] : memref<128x16xf32, #tpu.memory_space<vmem>>, vector<128x16xf32>
      %slice3A = vector.extract_strided_slice %max3A_100 {offsets = [0, 0], sizes = [128, 16], strides = [1, 1]} : vector<128x128xf32> to vector<128x16xf32>
      %div3A_107 = arith.divf %get3A_106, %slice3A : vector<128x16xf32>
      %get3A_108 = arith.constant 0 : index
      %get3A_109 = arith.constant 0 : index
      %get3A_110 = vector.load %arg5[%get3A_108, %get3A_109] : memref<128x16xf32, #tpu.memory_space<vmem>>, vector<128x16xf32>
      %get3A_111 = arith.constant 0 : index
      %get3A_112 = arith.constant 0 : index
      %get3A_113 = vector.load %arg11[%get3A_111, %get3A_112] : memref<128x16xf32, #tpu.memory_space<vmem>>, vector<128x16xf32>
      %dot_general3A_114 = arith.constant dense<0.000000e+00> : vector<128x16xf32>
      %dot_general3A_115 = tpu.matmul %div3A, %get3A_113, %dot_general3A_114 {dimension_numbers = #tpu.dot_dimension_numbers<[1], [0], [0], [1], [0, 0, 1, 1], [], []>, transpose_lhs_hint = false} : vector<128x128xf32>, vector<128x16xf32>, vector<128x16xf32> -> vector<128x16xf32>
      %add3A_116 = arith.addf %get3A_110, %dot_general3A_115 : vector<128x16xf32>
      %get3A_117 = arith.constant 0 : index
      %get3A_118 = arith.constant 0 : index
      %get3A_119 = vector.load %arg12[%get3A_117, %get3A_118] : memref<16x16xf32, #tpu.memory_space<vmem>>, vector<16x16xf32>
      %dot_general3A_120 = arith.constant dense<0.000000e+00> : vector<128x16xf32>
      %dot_general3A_121 = tpu.matmul %div3A_107, %get3A_119, %dot_general3A_120 {dimension_numbers = #tpu.dot_dimension_numbers<[1], [0], [0], [1], [0, 0, 1, 1], [], []>, transpose_lhs_hint = false} : vector<128x16xf32>, vector<16x16xf32>, vector<128x16xf32> -> vector<128x16xf32>
      %add3A_122 = arith.addf %add3A_116, %dot_general3A_121 : vector<128x16xf32>
      %get3A_123 = arith.constant 0 : index
      %get3A_124 = arith.constant 0 : index
      %get3A_125 = vector.load %arg13[%get3A_123, %get3A_124] : memref<16x16xf32, #tpu.memory_space<vmem>>, vector<16x16xf32>
      %dot_general3A_126 = arith.constant dense<0.000000e+00> : vector<128x16xf32>
      %dot_general3A_127 = tpu.matmul %get3A_110, %get3A_125, %dot_general3A_126 {dimension_numbers = #tpu.dot_dimension_numbers<[1], [0], [0], [1], [0, 0, 1, 1], [], []>, transpose_lhs_hint = false} : vector<128x16xf32>, vector<16x16xf32>, vector<128x16xf32> -> vector<128x16xf32>
      %add3A_128 = arith.addf %add3A_122, %dot_general3A_127 : vector<128x16xf32>
      %get3A_129 = arith.constant 0 : index
      %get3A_130 = arith.constant 0 : index
      %get3A_131 = vector.load %arg14[%get3A_129, %get3A_130] : memref<1x16xf32, #tpu.memory_space<vmem>>, vector<1x16xf32>
      %add3A_132 = vector.broadcast %get3A_131 : vector<1x16xf32> to vector<128x16xf32>
      %add3A_133 = arith.addf %add3A_128, %add3A_132 : vector<128x16xf32>
      %max3A_134 = arith.constant 0.000000e+00 : f32
      %max3A_135 = vector.broadcast %max3A_134 : f32 to vector<128x16xf32>
      %max3A_136 = arith.maximumf %add3A_133, %max3A_135 : vector<128x16xf32>
      %abs3A_137 = math.absf %add3A_133 : vector<128x16xf32>
      %neg3A_138 = arith.constant 0.000000e+00 : f32
      %neg3A_139 = vector.broadcast %neg3A_138 : f32 to vector<128x16xf32>
      %neg3A_140 = arith.subf %neg3A_139, %abs3A_137 : vector<128x16xf32>
      %exp3A_141 = math.exp %neg3A_140 : vector<128x16xf32>
      %log1p3A_142 = math.log1p %exp3A_141 : vector<128x16xf32>
      %add3A_143 = arith.addf %max3A_136, %log1p3A_142 : vector<128x16xf32>
      %swap3A_144 = arith.constant 0 : index
      %swap3A_145 = arith.constant 0 : index
      %swap3A_146 = vector.load %arg16[%swap3A_144, %swap3A_145] : memref<128x16xf32, #tpu.memory_space<vmem>>, vector<128x16xf32>
      tpu.vector_store %arg16[%swap3A_144, %swap3A_145], %add3A_143 {strides = array<i32>} : memref<128x16xf32, #tpu.memory_space<vmem>>, vector<128x16xf32>,
    } else {
    }
    return
  }
  func.func @transform_0(%arg0: i32) -> (i32, i32) {
    %c0_i32 = arith.constant 0 : i32
    %c0_i32_0 = arith.constant 0 : i32
    return %arg0, %c0_i32 : i32, i32
  }
  func.func @transform_1(%arg0: i32) -> (i32, i32) {
    %c0_i32 = arith.constant 0 : i32
    %c0_i32_0 = arith.constant 0 : i32
    return %arg0, %c0_i32 : i32, i32
  }
  func.func @transform_2(%arg0: i32) -> (i32, i32) {
    %c0_i32 = arith.constant 0 : i32
    %c0_i32_0 = arith.constant 0 : i32
    return %arg0, %c0_i32 : i32, i32
  }
  func.func @transform_3(%arg0: i32) -> (i32, i32, i32) {
    %c0_i32 = arith.constant 0 : i32
    %c0_i32_0 = arith.constant 0 : i32
    %c0_i32_1 = arith.constant 0 : i32
    return %arg0, %c0_i32, %c0_i32_0 : i32, i32, i32
  }
  func.func @transform_4(%arg0: i32) -> (i32, i32) {
    %c0_i32 = arith.constant 0 : i32
    %c0_i32_0 = arith.constant 0 : i32
    %c0_i32_1 = arith.constant 0 : i32
    return %c0_i32, %c0_i32_0 : i32, i32
  }
  func.func @transform_5(%arg0: i32) -> (i32, i32) {
    %c0_i32 = arith.constant 0 : i32
    %c0_i32_0 = arith.constant 0 : i32
    %c0_i32_1 = arith.constant 0 : i32
    return %c0_i32, %c0_i32_0 : i32, i32
  }
  func.func @transform_6(%arg0: i32) -> (i32, i32) {
    %c0_i32 = arith.constant 0 : i32
    %c0_i32_0 = arith.constant 0 : i32
    %c0_i32_1 = arith.constant 0 : i32
    return %c0_i32, %c0_i32_0 : i32, i32
  }
  func.func @transform_7(%arg0: i32) -> (i32, i32) {
    %c0_i32 = arith.constant 0 : i32
    %c0_i32_0 = arith.constant 0 : i32
    %c0_i32_1 = arith.constant 0 : i32
    return %c0_i32, %c0_i32_0 : i32, i32
  }
  func.func @transform_8(%arg0: i32) -> (i32, i32) {
    %c0_i32 = arith.constant 0 : i32
    %c0_i32_0 = arith.constant 0 : i32
    %c0_i32_1 = arith.constant 0 : i32
    return %c0_i32, %c0_i32_0 : i32, i32
  }
  func.func @transform_9(%arg0: i32) -> (i32, i32) {
    %c0_i32 = arith.constant 0 : i32
    %c0_i32_0 = arith.constant 0 : i32
    %c0_i32_1 = arith.constant 0 : i32
    return %c0_i32, %c0_i32_0 : i32, i32
  }
  func.func @transform_10(%arg0: i32) -> (i32, i32) {
    %c0_i32 = arith.constant 0 : i32
    %c0_i32_0 = arith.constant 0 : i32
    %c0_i32_1 = arith.constant 0 : i32
    return %c0_i32, %c0_i32_0 : i32, i32
  }
  func.func @transform_11(%arg0: i32) -> (i32, i32) {
    %c0_i32 = arith.constant 0 : i32
    %c0_i32_0 = arith.constant 0 : i32
    %c0_i32_1 = arith.constant 0 : i32
    return %c0_i32, %c0_i32_0 : i32, i32
  }
  func.func @transform_12(%arg0: i32) -> (i32, i32) {
    %c0_i32 = arith.constant 0 : i32
    %c0_i32_0 = arith.constant 0 : i32
    %c0_i32_1 = arith.constant 0 : i32
    return %c0_i32, %c0_i32_0 : i32, i32
  }
  func.func @transform_13(%arg0: i32) -> (i32, i32) {
    %c0_i32 = arith.constant 0 : i32
    %c0_i32_0 = arith.constant 0 : i32
    %c0_i32_1 = arith.constant 0 : i32
    return %c0_i32, %c0_i32_0 : i32, i32
  }
  func.func @transform_14(%arg0: i32) -> (i32, i32, i32) {
    %c0_i32 = arith.constant 0 : i32
    %c0_i32_0 = arith.constant 0 : i32
    %c0_i32_1 = arith.constant 0 : i32
    return %arg0, %c0_i32, %c0_i32_0 : i32, i32, i32
  }
  func.func @transform_15(%arg0: i32) -> (i32, i32) {
    %c0_i32 = arith.constant 0 : i32
    %c0_i32_0 = arith.constant 0 : i32
    %c0_i32_1 = arith.constant 0 : i32
    return %c0_i32, %c0_i32_0 : i32, i32
  }
}

</mosaic_0001>

<sc_bundles>
// kernel: kernel.6.cloned.1.call-start
scs
__scs_entry_jumppad:
0x0: {  	(pc) =	sbr.rel $0x88, $3  }
0x1: {  	(tag) =	ssettag $0x0;
	lr =	simm.s32 $0x1  }
0x2: {  	[smem:$0x3F96] =	sst lr;
	_ =	strace $0xD0000000  }
0x3: {  	_ = 	snop  }
0x4: {  	_ = 	snop  }
0x5: {  	_ = 	snop  }
0x6: {  	_ = 	snop  }
0x7: {  	_ = 	snop  }
__scs_overlays_trampoline_lowered:
0x8: {  	[smem:$0x3FA5] =	sst s0  }
0x9: {  	[smem:$0x3FA6] =	sst s1  }
0xa: {  	[smem:$0x3FA7] =	sst s2  }
0xb: {  	[smem:$0x3FA8] =	sst s3  }
0xc: {  	[smem:$0x3FA9] =	sst s4  }
0xd: {  	[smem:$0x3FAA] =	sst s5  }
0xe: {  	[smem:$0x3FAB] =	sst s6  }
0xf: {  	[smem:$0x3FAC] =	sst s7  }
0x10: {  	[smem:$0x3FAD] =	sst s8  }
0x11: {  	[smem:$0x3FAE] =	sst s9;
	s0 =	simm.s32 @!p0 $0x0  }
0x12: {  	s1 =	sld [smem:$0x3F94];
	s0 =	simm.s32 @p0 $0x1  }
0x13: {  	[smem:$0x3FAF] =	sst s0;
	s0 =	simm.s32 @!p1 $0x0  }
0x14: {  	s2 =	sld [smem:$0x3F93];
	s0 =	simm.s32 @p1 $0x1  }
0x15: {  	[smem:$0x3FB0] =	sst s0;
	s0 =	simm.s32 @!p2 $0x0  }
0x16: {  	s3 =	sld [smem:$0x3FDB];
	s0 =	simm.s32 @p2 $0x1  }
0x17: {  	s4 =	simm.s32 $0x1BF5;
	[smem:$0x3FB2] =	sst s0  }
0x18: {  	s0 =	sld [smem:$0x3F95];
	_ =	swait.ge [sflag:s4], $0x0  }
0x19: {  	s7 =	sld [smem:$0x3F96]  }
0x1a: {  	s8 =	sadd.s32 $0xFFFFE003, lr  }
0x1b: {  	s9 =	sadd.s32 $0xFFFFFEF7, lr;
	s5 =	simm.s32 $0xFFFFFFFF;
	p2 =	slt.u32 s8, $0xFFFFF086  }
0x1c: {  	p1 =	slt.u32 s9, $0xF7A;
	s5 =	simm.s32 @!p2 $0x0  }
0x1d: {  	s5 =	simm.s32 @p1 $0x1;
	p0 =	seq.s32 s7, s2  }
0x1e: {  	s7 =	smul.u32 @!p0 $0xF7A, s2;
	p2 =	seq.s32 @!p0 s5, $0x0  }
0x1f: {  	s9 =	smul.u32 $0xF7A, s1;
	s8 =	simm.s32 @!p0 $0x1BF5;
	p2 =	por !p2, p0  }
0x20: {  	[sflag:s8] =	ssyncset.s32 @!p0 $0xFFFFF086;
	s6 =	sadd.s32 @!p0 s3, s7;
	s7 =	simm.s32 @!p0 $0x108  }
0x21: {  	s3 =	sadd.s32 s3, s9;
	s6 =	sadd.s32 @!p0 $0x88, s6;
	s7 =	simm.s32 @p2 $0x1082  }
0x22: {  	[simem:s7], [sflag:s8] =	dma.local @!p0 [hbm:s6], $0xF7A  }
0x23: {  	s9 =	sor.u32 $0xD0000000, s2;
	s6 =	simm.s32 $0x108;
	_ =	swait.ge @!p0 [sflag:s8], $0x0  }
0x24: {  	s3 =	sadd.s32 $0x88, s3;
	s6 =	simm.s32 @!p1 $0x1082;
	[sflag:s4] =	ssyncset.s32 $0xFFFFF086  }
0x25: {  	[simem:s6], [sflag:s4] =	dma.local [hbm:s3], $0xF7A  }
0x26: {  	[smem:$0x3F96] =	sst s1;
	(tag) =	ssettag s2;
	_ =	strace s9  }
0x27: {  	s1 =	sld [smem:$0x3FA6]  }
0x28: {  	s2 =	sld [smem:$0x3FA7]  }
0x29: {  	s4 =	sld [smem:$0x3FA9]  }
0x2a: {  	p0 =	seq.s32 s5, $0x0;
	s5 =	sld [smem:$0x3FAA]  }
0x2b: {  	s6 =	sld [smem:$0x3FAB]  }
0x2c: {  	s7 =	sld [smem:$0x3FAC]  }
0x2d: {  	s3 =	simm.s32 $0x108;
	s8 =	sld [smem:$0x3FAD]  }
0x2e: {  	s3 =	simm.s32 @!p0 $0x1082;
	s9 =	sld [smem:$0x3FAE]  }
0x2f: {  	lr =	sadd.s32 s0, s3;
	s0 =	sld [smem:$0x3FA5]  }
0x30: {  	s3 =	sld [smem:$0x3FA8]  }
0x31: {  	[smem:$0x3FB1] =	sst s10  }
0x32: {  	s10 =	sld [smem:$0x3FAF];
	_ =	sdelay $0x3  }
0x33: {  	p0 =	seq.s32 s10, $0x1;
	s10 =	sld [smem:$0x3FB1];
	_ =	sdelay $0x3  }
0x34: {  	[smem:$0x3FB1] =	sst s10  }
0x35: {  	s10 =	sld [smem:$0x3FB0];
	_ =	sdelay $0x3  }
0x36: {  	p1 =	seq.s32 s10, $0x1;
	s10 =	sld [smem:$0x3FB1];
	_ =	sdelay $0x3  }
0x37: {  	[smem:$0x3FB1] =	sst s10  }
0x38: {  	s10 =	sld [smem:$0x3FB2]  }
0x39: {  	_ = 	snop;
	(pc) =	sbr.ind lr, $3  }
0x3a: {  	_ = 	snop  }
0x3b: {  	_ = 	snop  }
0x3c: {  	p2 =	seq.s32 s10, $0x1;
	s10 =	sld [smem:$0x3FB1]  }
0x3d: {  	_ =	shalt  }
0x3e: {  	_ =	shalt  }
0x3f: {  	_ =	shalt  }
0x40: {  	_ =	shalt  }
0x41: {  	_ =	shalt  }
0x42: {  	_ =	shalt  }
0x43: {  	_ =	shalt  }
0x44: {  	_ =	shalt  }
0x45: {  	_ =	shalt  }
0x46: {  	_ =	shalt  }
0x47: {  	_ =	shalt  }
0x48: {  	_ =	shalt  }
0x49: {  	_ =	shalt  }
0x4a: {  	_ =	shalt  }
0x4b: {  	_ =	shalt  }
0x4c: {  	_ =	shalt  }
0x4d: {  	_ =	shalt  }
0x4e: {  	_ =	shalt  }
0x4f: {  	_ =	shalt  }
0x50: {  	_ =	shalt  }
0x51: {  	_ =	shalt  }
0x52: {  	_ =	shalt  }
0x53: {  	_ =	shalt  }
0x54: {  	_ =	shalt  }
0x55: {  	_ =	shalt  }
0x56: {  	_ =	shalt  }
0x57: {  	_ =	shalt  }
0x58: {  	_ =	shalt  }
0x59: {  	_ =	shalt  }
0x5a: {  	_ =	shalt  }
0x5b: {  	_ =	shalt  }
0x5c: {  	_ =	shalt  }
0x5d: {  	_ =	shalt  }
0x5e: {  	_ =	shalt  }
0x5f: {  	_ =	shalt  }
0x60: {  	_ =	shalt  }
0x61: {  	_ =	shalt  }
0x62: {  	_ =	shalt  }
0x63: {  	_ =	shalt  }
0x64: {  	_ =	shalt  }
0x65: {  	_ =	shalt  }
0x66: {  	_ =	shalt  }
0x67: {  	_ =	shalt  }
0x68: {  	_ =	shalt  }
0x69: {  	_ =	shalt  }
0x6a: {  	_ =	shalt  }
0x6b: {  	_ =	shalt  }
0x6c: {  	_ =	shalt  }
0x6d: {  	_ =	shalt  }
0x6e: {  	_ =	shalt  }
0x6f: {  	_ =	shalt  }
0x70: {  	_ =	shalt  }
0x71: {  	_ =	shalt  }
0x72: {  	_ =	shalt  }
0x73: {  	_ =	shalt  }
0x74: {  	_ =	shalt  }
0x75: {  	_ =	shalt  }
0x76: {  	_ =	shalt  }
0x77: {  	_ =	shalt  }
0x78: {  	_ =	shalt  }
0x79: {  	_ =	shalt  }
0x7a: {  	_ =	shalt  }
0x7b: {  	_ =	shalt  }
0x7c: {  	_ =	shalt  }
0x7d: {  	_ =	shalt  }
0x7e: {  	_ =	shalt  }
0x7f: {  	_ =	shalt  }
0x80: {  	_ =	shalt  }
0x81: {  	_ =	shalt  }
0x82: {  	_ =	shalt  }
0x83: {  	_ =	shalt  }
0x84: {  	_ =	shalt  }
0x85: {  	_ =	shalt  }
0x86: {  	_ =	shalt  }
0x87: {  	_ =	shalt  }
.Lfunc_end0:
.L_simem_size_0:
called_computation_lowered:
.L_overlay_start_0:
0x88: {  	s2 =	sld [smem:$0x3FD9]  }
0x89: {  	s3 =	sld [smem:$0x3FFE];
	_ =	sdelay $0x1  }
0x8a: {  	s1 =	srdreg.scid  }
0x8b: {  	s0 =	sand.u32 $0x1, s1  }
0x8c: {  	s17 =	sshll.u32 s0, $0xA;
	s2 =	sadd.s32 s3, s2  }
0x8d: {  	s2 =	sadd.s32 s2, s17  }
0x8e: {  	[smem:$0x3FBD] =	sst s2  }
0x8f: {  	_ = 	snop  }
0x90: {  	s2 =	sld [smem:$0x3FC9];
	(tm) =	ssettm $0x1  }
0x91: {  	s18 =	sld [smem:$0x3FFB];
	_ =	sdelay $0x3  }
0x92: {  	_ =	strace s18  }
0x93: {  	s3 =	sld [smem:$0x3FFC];
	_ =	sdelay $0x3  }
0x94: {  	_ =	strace s3  }
0x95: {  	s3 =	sld [smem:$0x3FFD];
	_ =	sdelay $0x3  }
0x96: {  	_ =	strace s3  }
0x97: {  	_ =	strace $0x8FFFFFFF  }
0x98: {  	s19 =	sld [smem:$0x3FDB];
	_ =	sdelay $0x1  }
0x99: {  	s4 =	simm.s32 $_scs_section_size  }
0x9a: {  	s5 =	simm.s32 $_size__tile_overlayer_lowered;
	s6 =	simm.s32 $_tile_overlayer_lowered  }
0x9b: {  	s22 =	simm.s32 $0x1BFF;
	s21 =	sshll.u32 s6, $0x1;
	s3 =	sadd.s32 s4, s19  }
0x9c: {  	s7 =	simm.s32 $0x0;
	s20 =	sshll.u32 s5, $0x1;
	s5 =	sadd.s32 s21, s3  }
0x9d: {  	[timem:s7], [sflag:s22] =	dma.local [hbm:s5], s20  }
0x9e: {  	_ =	swait.ge [sflag:s22], s20  }
0x9f: {  	s4 =	ssub.s32 $0x0, s20;
	[sflag:s22] =	ssyncset.done $0x0  }
0xa0: {  	[sflag:s22] =	ssyncadd.s32 s4;
	_ =	sdelay $0x1  }
0xa1: {  	s23 =	simm.s32 $0x1B8B  }
0xa2: {  	_ =	swait.ge [sflag:s23], $0x1  }
0xa3: {  	[sflag:s23] =	ssyncset.done $0x0  }
0xa4: {  	s25 =	simm.s32 $0x1B8E;
	s24 =	sld [smem:$0x3FFE];
	[sflag:s23] =	ssyncadd.s32 $0xFFFFFFFF  }
0xa5: {  	s26 =	simm.s32 $execute0_lowered;
	[smem:$0x3FD2] =	sst s25  }
0xa6: {  	s5 =	sshll.u32 s26, $0x1;
	_ =	strace $0x80000046;
	[dreg:$0x1] =	wrdreg $0xFFFFFFFF  }
0xa7: {  	s28 =	simm.s32 $_size_execute0_lowered;
	s3 =	sadd.s32 s3, s5;
	[dreg:$0x0] =	wrdreg $0x0  }
0xa8: {  	s5 =	sshll.u32 s28, $0x1;
	[dreg:$0x2] =	wrdreg s3  }
0xa9: {  	[dreg:$0x3] =	wrdreg s5  }
0xaa: {  	[dreg:$0x4] =	wrdreg $0xC0  }
0xab: {  	_ =	task [dreg:s7], $0x5FFFF  }
0xac: {  	[dreg:$0x1] =	wrdreg $0xFFFFFFFF  }
0xad: {  	[dreg:$0x0] =	wrdreg $0x60  }
0xae: {  	[dreg:$0x2] =	wrdreg s2  }
0xaf: {  	[dreg:$0x3] =	wrdreg s24  }
0xb0: {  	[dreg:$0x4] =	wrdreg $0x9  }
0xb1: {  	_ =	task.clear_ibuf [dreg:s7], $0x5FFFF;
	_ =	strace $0x90000046  }
0xb2: {  	s29 =	simm.s32 $0x9;
	_ =	strace $0x8000004F  }
0xb3: {  	_ =	swait.ge [sflag:s29], $0x1  }
0xb4: {  	[sflag:s29] =	ssyncadd.s32 $0xFFFFFFFF  }
0xb5: {  	_ =	strace $0x9000004F  }
0xb6: {  	_ =	sfence  }
0xb7: {  	s30 =	sld [smem:$0x0];
	_ =	sdelay $0x2  }
0xb8: {  	s31 =	sshll.u32 s1, $0xD;
	s1 =	sshrl.u32 s1, $0x2  }
0xb9: {  	s3 =	sand.u32 $0x4000, s31;
	s1 =	sadd.s32 s1, s30  }
0xba: {  	s0 =	sor.u32 s3, s0;
	s1 =	sshll.u32 s1, $0x11  }
0xbb: {  	s0 =	sor.u32 s1, s0  }
0xbc: {  	s0 =	sadd.s32 $0x8F2B, s0  }
0xbd: {  	[sflag:s0] =	ssyncadd.remote.s32 $0x1  }
0xbe: {  	_ =	sfence.sel $0xFFFF  }
0xbf: {  	[dreg:$0x0] =	wrdreg $0xFFFFFFFF;
	(pc) =	sbr.abs _section_cstart, $3  }
0xc0: {  	[dreg:$0x1] =	wrdreg $0xFFFFFFFF  }
0xc1: {  	_ =	task.clear_ibuf [dreg:s7], $0x2FFFF;
	_ =	strace $0x9FFFFFFF  }
0xc2: {  	(tm) =	ssettm $0x7FFFFFFF  }
0xc3: {  	_ =	shalt  }
tec
execute0_lowered:
.L_overlay_start_1:
0x0: {  	(tag) =	ssettag $0x1  }
0x1: {  	s1 =	rddreg [dreg:$0x0]  }
0x2: {  	s0 =	srdreg.scid;
	s5 =	rddreg [dreg:$0x1]  }
0x3: {  	s2 =	simm.s32 $0x0;
	s4 =	sand.u32 $0x1, s0;
	[dreg:$0x3] =	wrdreg s1  }
0x4: {  	s0 =	stileid.u32;
	s1 =	rddreg [dreg:$0x2];
	s28 =	sshll.u32 s4, $0x4  }
0x5: {  	s31 =	simm.s32 $0x80;
	[smem:$0x7FF] =	sst s2;
	s6 =	sor.u32 s0, s28  }
0x6: {  	s3 =	sadd.s32 $0x4000, s5;
	s5 =	sadd.s32 $0xDE00, s5;
	s7 =	smul.u32 $0x2780, s6  }
0x7: {  	_ =	strace $0x80000047;
	[dreg:$0x5] =	wrdreg s5;
	s8 =	smul.u32 $0x380, s6  }
0x8: {  	s10 =	simm.s32 $0x0;
	s4 =	ssub.s32 $0x2, s4;
	[dreg:$0x4] =	wrdreg s31  }
0x9: {  	s9 =	sshrl.u32 s4, $0x1;
	s7 =	sand.u32 $0x7FC00, s7;
	s8 =	sand.u32 $0x380, s8  }
0xa: {  	s29 =	ssub.s32 s4, s9;
	s4 =	smul.u32 $0x4F, s6;
	s7 =	sor.u32 s8, s7  }
0xb: {  	s9 =	simm.s32 $0x3;
	s6 =	smax.u32 s29, $0x1;
	s30 =	sshrl.u32 s7, $0x3  }
0xc: {  	s8 =	simm.s32 $0x5;
	s7 =	simm.s32 $0x1;
	s5 =	sadd.s32 s3, s30  }
.LBB2_1:
0xd: {  	_ =	strace $0x80000048;
	s11 =	simm.s32 $0x1;
	p0 =	por $0x0, $0x0  }
0xe: {  	[tilespmem:s2], [sflag:$0x1] =	stream.linear.gather [hbm4b:s5+s2], $0x80, $0x200038;
	[tilespmem:$0x8100] =	vst v63  }
0xf: {  	s11 =	simm.s32 @p0 $0x0  }
0x10: {  	p4 =	por $0x1, $0x1;
	s20 =	sand.u32 $0x1, s2;
	p1 =	sne.s32 s11, $0x0  }
0x11: {  	p2 =	por $0x1, $0x1;
	s17 =	simm.s32 $0x4D;
	p0 =	por !p4, !p1  }
0x12: {  	s16 =	simm.s32 $0x0;
	p5 =	por $0x0, $0x0;
	p0 =	por !p0, !p0  }
0x13: {  	s23 =	sadd.s32 $0x0, s4;
	s30 =	sadd.s32 $0x1, s20;
	s12 =	sadd.s32 @p0 s4, s11  }
0x14: {  	_ =	strace $0x90000048;
	s13 =	sand.u32 @p0 $0x1, s7;
	s12 =	sshll.u32 @p0 s12, $0x4  }
0x15: {  	_ =	strace @p0 $0x80000049;
	s15 =	simm.s32 @p0 $0x0;
	s12 =	sand.u32 @p0 $0x1FFFFFF0, s12  }
0x16: {  	s14 =	sshll.u32 @p0 s13, $0x7;
	s13 =	sadd.s32 @p0 $0x1, s13;
	s12 =	sadd.s32 @p0 s3, s12  }
0x17: {  	[tilespmem:s14], [sflag:s13] =	stream.linear.gather @p0 [hbm4b:s12+s15], $0x80, $0x200038;
	[tilespmem:$0x8100] =	vst v63  }
0x18: {  	p3 =	por p2, p2;
	s21 =	sshll.u32 s20, $0xE;
	_ =	strace @p0 $0x90000049  }
0x19: {  	s16 =	sand.u32 $0x80, s16;
	p2 =	por p5, p5;
	_ =	strace $0x8000004A  }
0x1a: {  	s18 =	sadd.s32 $0x1, s11;
	s22 =	sor.u32 $0x100, s21;
	_ =	swait.ge [sflag:s30], $0x80  }
0x1b: {  	s21 =	simm.s32 $0x1;
	p6 =	por p1, p1;
	[sflag:s30] =	ssyncset.done $0x0  }
0x1c: {  	p1 =	por p3, p3;
	p4 =	por $0x1, $0x1;
	[sflag:s30] =	ssyncadd.s32 $0xFFFFFF80  }
0x1d: {  	s12 =	simm.s32 $0x4E;
	s15 =	sand.u32 @!p3 $0x1, s2;
	_ =	strace $0x9000004A  }
0x1e: {  	s13 =	simm.s32 $0x1;
	p3 =	seq.s32 s18, $0x4F;
	_ =	strace $0x8000004B  }
0x1f: {  	s13 =	simm.s32 @!p0 $0x0;
	s18 =	simm.s32 @p3 $0x0;
	s19 =	rddreg [dreg:$0x4]  }
0x20: {  	p0 =	por $0x0, $0x0;
	s14 =	sadd.s32 $0x1, s13;
	s31 =	rddreg [dreg:$0x3]  }
0x21: {  	[tilespmem:s22], [sflag:$0x5] =	stream.indirect.gather [hbm4b:s31+s19], $0x80, s16, s19, $0x2000b8;
	[tilespmem:$0x8100] =	vst v63  }
0x22: {  	p3 =	sne.s32 s11, s18;
	s21 =	simm.s32 @!p0 $0x0;
	_ =	swait.ge [sflag:s8], $0x4000  }
0x23: {  	p5 =	por !p4, !p3;
	p4 =	por $0x0, $0x0;
	[sflag:s8] =	ssyncset.done $0x0  }
0x24: {  	s13 =	simm.s32 $0x0;
	p6 =	por p4, p6;
	[sflag:s8] =	ssyncadd.s32 $0xFFFFC000  }
0x25: {  	s16 =	simm.s32 $0x0;
	s19 =	simm.s32 $0x0;
	_ =	strace $0x9000004B  }
.LBB2_2:
0x26: {  	_ =	strace @p6 $0x8000004C;
	s13 =	sadd.s32 s21, s13;
	s21 =	smov.u32 s12  }
0x27: {  	s12 =	smov.u32 s17;
	s17 =	sadd.s32 $0xFFFFFFFF, s17;
	p0 =	por p3, p3  }
0x28: {  	s28 =	sshll.u32 @p6 s23, $0xB;
	s20 =	sadd.s32 @p6 $0x3, s20;
	s24 =	simm.s32 @!p0 $0x0  }
0x29: {  	s25 =	rddreg [dreg:$0x5];
	s28 =	sand.u32 @p6 $0x1FFFF800, s28;
	s24 =	simm.s32 @p0 $0x1  }
0x2a: {  	s25 =	sadd.s32 @p6 s25, s28;
	s28 =	simm.s32 @p6 $0x0;
	p0 =	sne.s32 s17, $0x0  }
0x2b: {  	[hbm4b:s25+s28] =	stream.linear.scatter @p6 [tilespmem:s22], [sflag:s20], $0x4000, $0x200038;
	[tilespmem:$0x8100] =	vst v63  }
0x2c: {  	s20 =	sadd.s32 @!p1 $0x3, s15;
	s15 =	simm.s32 @!p0 $0x0  }
0x2d: {  	s26 =	simm.s32 $0x1;
	[smem:$0x7FC] =	sst s24;
	s15 =	simm.s32 @p0 $0x1  }
0x2e: {  	s26 =	simm.s32 @!p6 $0x0;
	_ =	strace @p6 $0x9000004C;
	[smem:$0x7FD] =	sst s15  }
0x2f: {  	p5 =	por !p5, !p5;
	s19 =	sadd.s32 s26, s19;
	_ =	strace @!p1 $0x8000004D  }
0x30: {  	s24 =	sand.u32 @!p2 $0x1, s13;
	s22 =	sadd.s32 @p5 s4, s18;
	_ =	swait.ge @!p1 [sflag:s20], $0x4000  }
0x31: {  	s22 =	sshll.u32 @p5 s22, $0x4;
	s15 =	smov.u32 s24;
	[sflag:s20] =	ssyncset.done @!p1 $0x0  }
0x32: {  	s24 =	sand.u32 @p5 $0x1, s14;
	s22 =	sand.u32 @p5 $0x1FFFFFF0, s22;
	[sflag:s20] =	ssyncadd.s32 @!p1 $0xFFFFC000  }
0x33: {  	s25 =	sshll.u32 @p5 s24, $0x7;
	s22 =	sadd.s32 @p5 s3, s22;
	_ =	strace @!p1 $0x9000004D  }
0x34: {  	s20 =	sadd.s32 @p5 $0x1, s24;
	s24 =	simm.s32 @p5 $0x0;
	_ =	strace @p5 $0x80000049  }
0x35: {  	[tilespmem:s25], [sflag:s20] =	stream.linear.gather @p5 [hbm4b:s22+s24], $0x80, $0x200038;
	[tilespmem:$0x8100] =	vst v63  }
0x36: {  	s16 =	sadd.s32 s26, s16;
	s26 =	sand.u32 $0x1, s19;
	_ =	strace @p5 $0x90000049  }
0x37: {  	s24 =	sadd.s32 $0x1, s26;
	_ =	strace $0x8000004A  }
0x38: {  	_ =	swait.ge [sflag:s24], $0x80  }
0x39: {  	[sflag:s24] =	ssyncset.done $0x0  }
0x3a: {  	s20 =	simm.s32 $0x1;
	[sflag:s24] =	ssyncadd.s32 $0xFFFFFF80  }
0x3b: {  	s20 =	simm.s32 @!p5 $0x0;
	_ =	strace $0x9000004A  }
0x3c: {  	s14 =	sadd.s32 s20, s14;
	s20 =	sand.u32 $0x1, s16;
	_ =	strace $0x8000004B  }
0x3d: {  	s29 =	sshll.u32 s19, $0x7;
	s25 =	sshll.u32 s20, $0xE;
	s26 =	rddreg [dreg:$0x4]  }
0x3e: {  	s29 =	sand.u32 $0x80, s29;
	s22 =	sor.u32 $0x100, s25;
	s30 =	rddreg [dreg:$0x3]  }
0x3f: {  	[tilespmem:s22], [sflag:$0x5] =	stream.indirect.gather [hbm4b:s30+s26], $0x80, s29, s26, $0x2000b8;
	[tilespmem:$0x8100] =	vst v63  }
0x40: {  	_ =	swait.ge [sflag:s8], $0x4000  }
0x41: {  	s31 =	sadd.s32 $0x1, s18;
	[sflag:s8] =	ssyncset.done $0x0  }
0x42: {  	s23 =	sadd.s32 s4, s11;
	s11 =	smov.u32 s18;
	[sflag:s8] =	ssyncadd.s32 $0xFFFFC000  }
0x43: {  	p3 =	seq.s32 s31, $0x4F;
	s18 =	smov.u32 s31;
	_ =	strace $0x9000004B  }
0x44: {  	s18 =	simm.s32 @p3 $0x0;
	s31 =	sld [smem:$0x7FD]  }
0x45: {  	p6 =	sne.s32 s12, $0x1;
	p0 =	sne.s32 s21, $0x4F;
	p3 =	sne.s32 s11, s18  }
0x46: {  	p5 =	por !p6, !p3;
	p6 =	seq.s32 s21, $0x1;
	s21 =	simm.s32 $0x1  }
0x47: {  	s21 =	simm.s32 @!p0 $0x0;
	p0 =	seq.s32 s31, $0x1  }
.Ltmp0:
0x48: {  	s30 =	sld [smem:$0x7FC];
	(pc) =	sbr.rel @p0 .LBB2_2-.Ltmp0, $4  }
0x49: {  	_ = 	snop  }
0x4a: {  	p4 =	seq.s32 s12, $0x4F  }
0x4b: {  	p1 =	por p2, p2;
	p2 =	por p4, p4;
	p4 =	seq.s32 s30, $0x1  }
0x4c: {  	p6 =	por p6, p4  }
0x4d: {  	_ =	strace @p6 $0x8000004C;
	s23 =	sshll.u32 @p6 s23, $0xB  }
0x4e: {  	s17 =	rddreg [dreg:$0x5];
	s23 =	sand.u32 @p6 $0x1FFFF800, s23  }
0x4f: {  	s20 =	sadd.s32 @p6 $0x3, s20;
	s17 =	sadd.s32 @p6 s17, s23;
	s23 =	simm.s32 @p6 $0x0  }
0x50: {  	[hbm4b:s17+s23] =	stream.linear.scatter @p6 [tilespmem:s22], [sflag:s20], $0x4000, $0x200038;
	[tilespmem:$0x8100] =	vst v63  }
0x51: {  	p0 =	por !p5, !p5;
	_ =	strace @p6 $0x9000004C  }
0x52: {  	s15 =	sadd.s32 @!p1 $0x3, s15;
	s18 =	sadd.s32 @p0 s4, s18;
	_ =	strace @!p1 $0x8000004D  }
0x53: {  	s14 =	sand.u32 @p0 $0x1, s14;
	s18 =	sshll.u32 @p0 s18, $0x4;
	_ =	swait.ge @!p1 [sflag:s15], $0x4000  }
0x54: {  	s17 =	simm.s32 $0x1;
	s20 =	sshll.u32 @p0 s14, $0x7;
	[sflag:s15] =	ssyncset.done @!p1 $0x0  }
0x55: {  	s14 =	sadd.s32 @p0 $0x1, s14;
	s17 =	simm.s32 @!p6 $0x0;
	[sflag:s15] =	ssyncadd.s32 @!p1 $0xFFFFC000  }
0x56: {  	s19 =	sadd.s32 s17, s19;
	s15 =	sand.u32 @p0 $0x1FFFFFF0, s18;
	_ =	strace @!p1 $0x9000004D  }
0x57: {  	s18 =	simm.s32 @p0 $0x0;
	s15 =	sadd.s32 @p0 s3, s15;
	_ =	strace @p0 $0x80000049  }
0x58: {  	[tilespmem:s20], [sflag:s14] =	stream.linear.gather @p0 [hbm4b:s15+s18], $0x80, $0x200038;
	[tilespmem:$0x8100] =	vst v63  }
0x59: {  	s25 =	sand.u32 $0x1, s19;
	_ =	strace @p0 $0x90000049  }
0x5a: {  	s14 =	sadd.s32 $0x1, s25;
	_ =	strace $0x8000004A  }
0x5b: {  	_ =	swait.ge [sflag:s14], $0x80  }
0x5c: {  	[sflag:s14] =	ssyncset.done $0x0  }
0x5d: {  	[sflag:s14] =	ssyncadd.s32 $0xFFFFFF80  }
0x5e: {  	s26 =	sadd.s32 s17, s16;
	_ =	strace $0x9000004A  }
0x5f: {  	s14 =	sand.u32 $0x1, s26;
	_ =	strace $0x8000004B  }
0x60: {  	s30 =	sshll.u32 s19, $0x7;
	s31 =	sshll.u32 s14, $0xE;
	s28 =	rddreg [dreg:$0x4]  }
0x61: {  	s17 =	sand.u32 $0x80, s30;
	s18 =	sor.u32 $0x100, s31;
	s29 =	rddreg [dreg:$0x3]  }
0x62: {  	[tilespmem:s18], [sflag:$0x5] =	stream.indirect.gather [hbm4b:s29+s28], $0x80, s17, s28, $0x2000b8;
	[tilespmem:$0x8100] =	vst v63  }
0x63: {  	_ =	swait.ge [sflag:s8], $0x4000  }
0x64: {  	[sflag:s8] =	ssyncset.done $0x0  }
0x65: {  	p5 =	por p3, p3;
	p6 =	seq.s32 s12, $0x1;
	[sflag:s8] =	ssyncadd.s32 $0xFFFFC000  }
0x66: {  	s11 =	sadd.s32 s4, s11;
	p0 =	por p6, p5;
	_ =	strace $0x9000004B  }
0x67: {  	s11 =	sshll.u32 @p0 s11, $0xB;
	_ =	strace @p0 $0x8000004C  }
0x68: {  	s13 =	sadd.s32 s21, s13;
	s11 =	sand.u32 @p0 $0x1FFFF800, s11;
	s12 =	rddreg [dreg:$0x5]  }
0x69: {  	s14 =	sadd.s32 @p0 $0x3, s14;
	s11 =	sadd.s32 @p0 s12, s11;
	s12 =	simm.s32 @p0 $0x0  }
0x6a: {  	[hbm4b:s11+s12] =	stream.linear.scatter @p0 [tilespmem:s18], [sflag:s14], $0x4000, $0x200038;
	[tilespmem:$0x8100] =	vst v63  }
0x6b: {  	p1 =	por p2, p2;
	s11 =	sand.u32 @!p2 $0x1, s13;
	_ =	strace @p0 $0x9000004C  }
0x6c: {  	s11 =	sadd.s32 @!p1 $0x3, s11;
	_ =	strace @!p1 $0x8000004D  }
0x6d: {  	_ =	swait.ge @!p1 [sflag:s11], $0x4000  }
0x6e: {  	[sflag:s11] =	ssyncset.done @!p1 $0x0  }
0x6f: {  	s10 =	sadd.s32 $0x1, s10;
	[sflag:s11] =	ssyncadd.s32 @!p1 $0xFFFFC000  }
0x70: {  	p0 =	sne.s32 s10, s6;
	_ =	strace @!p1 $0x9000004D  }
.Ltmp1:
0x71: {  	_ =	strace $0x8000004E;
	(pc) =	sbr.rel @p0 .LBB2_1-.Ltmp1, $4  }
0x72: {  	_ =	swait.ge [sflag:s9], $0x4000  }
0x73: {  	[sflag:s9] =	ssyncset.done $0x0  }
0x74: {  	[sflag:s9] =	ssyncadd.s32 $0xFFFFC000  }
0x75: {  	_ =	strace $0x9000004E  }
0x76: {  	_ =	sfence.sel $0x180000  }
0x77: {  	[bflag:$0x0] =	sbarrier.arrive $0xFFFF  }
0x78: {  	p0 =	sne.s32 s0, $0x0;
	_ =	strace $0x90000047  }
0x79: {  	s0 =	sadd.s32 @!p0 $0x100000, s1;
	[bflag:$0x2] =	sbarrier.arrive $0xFFFF  }
0x7a: {  	[sflag:s0] =	ssyncadd.tile.s32 @!p0 $0x1;
	_ =	shalt  }
.Lfunc_end2:
_tile_overlayer_lowered:
.L_overlay_start_2:
0x7b: {  	(tag) =	ssettag $0x2  }
0x7c: {  	s0 =	rddreg [dreg:$0x0];
	s2 =	stileid.u32  }
0x7d: {  	s1 =	rddreg [dreg:$0x1];
	p0 =	sne.s32 s2, $0x0  }
0x7e: {  	s3 =	rddreg [dreg:$0x2];
	[bflag:$0x3] =	sbarrier.arrive $0xFFFF;
	s2 =	simm.s32 @!p0 $0x1C01  }
0x7f: {  	[timem:s3], [sflag:s2] =	dma.local @!p0 [hbm:s0], s1  }
0x80: {  	s0 =	simm.s32 @!p0 $0x1  }
0x81: {  	_ =	swait.ge @!p0 [sflag:s0], s1  }
0x82: {  	s1 =	ssub.s32 @!p0 $0x0, s1;
	[sflag:s0] =	ssyncset.done @!p0 $0x0  }
0x83: {  	[sflag:s0] =	ssyncadd.s32 @!p0 s1  }
0x84: {  	[bflag:$0x3] =	sbarrier.arrive $0xFFFF  }
0x85: {  	_ =	shalt  }

// kernel: kernel.9.cloned.1.call-start
scs
__scs_entry_jumppad:
0x0: {  	(pc) =	sbr.rel $0x88, $3  }
0x1: {  	(tag) =	ssettag $0x0;
	lr =	simm.s32 $0x1  }
0x2: {  	[smem:$0x3F96] =	sst lr;
	_ =	strace $0xD0000000  }
0x3: {  	_ = 	snop  }
0x4: {  	_ = 	snop  }
0x5: {  	_ = 	snop  }
0x6: {  	_ = 	snop  }
0x7: {  	_ = 	snop  }
__scs_overlays_trampoline_lowered:
0x8: {  	[smem:$0x3FA5] =	sst s0  }
0x9: {  	[smem:$0x3FA6] =	sst s1  }
0xa: {  	[smem:$0x3FA7] =	sst s2  }
0xb: {  	[smem:$0x3FA8] =	sst s3  }
0xc: {  	[smem:$0x3FA9] =	sst s4  }
0xd: {  	[smem:$0x3FAA] =	sst s5  }
0xe: {  	[smem:$0x3FAB] =	sst s6  }
0xf: {  	[smem:$0x3FAC] =	sst s7  }
0x10: {  	[smem:$0x3FAD] =	sst s8  }
0x11: {  	[smem:$0x3FAE] =	sst s9;
	s0 =	simm.s32 @!p0 $0x0  }
0x12: {  	s1 =	sld [smem:$0x3F94];
	s0 =	simm.s32 @p0 $0x1  }
0x13: {  	[smem:$0x3FAF] =	sst s0;
	s0 =	simm.s32 @!p1 $0x0  }
0x14: {  	s2 =	sld [smem:$0x3F93];
	s0 =	simm.s32 @p1 $0x1  }
0x15: {  	[smem:$0x3FB0] =	sst s0;
	s0 =	simm.s32 @!p2 $0x0  }
0x16: {  	s3 =	sld [smem:$0x3FDB];
	s0 =	simm.s32 @p2 $0x1  }
0x17: {  	s4 =	simm.s32 $0x1BF5;
	[smem:$0x3FB2] =	sst s0  }
0x18: {  	s0 =	sld [smem:$0x3F95];
	_ =	swait.ge [sflag:s4], $0x0  }
0x19: {  	s7 =	sld [smem:$0x3F96]  }
0x1a: {  	s8 =	sadd.s32 $0xFFFFE003, lr  }
0x1b: {  	s9 =	sadd.s32 $0xFFFFFEF7, lr;
	s5 =	simm.s32 $0xFFFFFFFF;
	p2 =	slt.u32 s8, $0xFFFFF086  }
0x1c: {  	p1 =	slt.u32 s9, $0xF7A;
	s5 =	simm.s32 @!p2 $0x0  }
0x1d: {  	s5 =	simm.s32 @p1 $0x1;
	p0 =	seq.s32 s7, s2  }
0x1e: {  	s7 =	smul.u32 @!p0 $0xF7A, s2;
	p2 =	seq.s32 @!p0 s5, $0x0  }
0x1f: {  	s9 =	smul.u32 $0xF7A, s1;
	s8 =	simm.s32 @!p0 $0x1BF5;
	p2 =	por !p2, p0  }
0x20: {  	[sflag:s8] =	ssyncset.s32 @!p0 $0xFFFFF086;
	s6 =	sadd.s32 @!p0 s3, s7;
	s7 =	simm.s32 @!p0 $0x108  }
0x21: {  	s3 =	sadd.s32 s3, s9;
	s6 =	sadd.s32 @!p0 $0x88, s6;
	s7 =	simm.s32 @p2 $0x1082  }
0x22: {  	[simem:s7], [sflag:s8] =	dma.local @!p0 [hbm:s6], $0xF7A  }
0x23: {  	s9 =	sor.u32 $0xD0000000, s2;
	s6 =	simm.s32 $0x108;
	_ =	swait.ge @!p0 [sflag:s8], $0x0  }
0x24: {  	s3 =	sadd.s32 $0x88, s3;
	s6 =	simm.s32 @!p1 $0x1082;
	[sflag:s4] =	ssyncset.s32 $0xFFFFF086  }
0x25: {  	[simem:s6], [sflag:s4] =	dma.local [hbm:s3], $0xF7A  }
0x26: {  	[smem:$0x3F96] =	sst s1;
	(tag) =	ssettag s2;
	_ =	strace s9  }
0x27: {  	s1 =	sld [smem:$0x3FA6]  }
0x28: {  	s2 =	sld [smem:$0x3FA7]  }
0x29: {  	s4 =	sld [smem:$0x3FA9]  }
0x2a: {  	p0 =	seq.s32 s5, $0x0;
	s5 =	sld [smem:$0x3FAA]  }
0x2b: {  	s6 =	sld [smem:$0x3FAB]  }
0x2c: {  	s7 =	sld [smem:$0x3FAC]  }
0x2d: {  	s3 =	simm.s32 $0x108;
	s8 =	sld [smem:$0x3FAD]  }
0x2e: {  	s3 =	simm.s32 @!p0 $0x1082;
	s9 =	sld [smem:$0x3FAE]  }
0x2f: {  	lr =	sadd.s32 s0, s3;
	s0 =	sld [smem:$0x3FA5]  }
0x30: {  	s3 =	sld [smem:$0x3FA8]  }
0x31: {  	[smem:$0x3FB1] =	sst s10  }
0x32: {  	s10 =	sld [smem:$0x3FAF];
	_ =	sdelay $0x3  }
0x33: {  	p0 =	seq.s32 s10, $0x1;
	s10 =	sld [smem:$0x3FB1];
	_ =	sdelay $0x3  }
0x34: {  	[smem:$0x3FB1] =	sst s10  }
0x35: {  	s10 =	sld [smem:$0x3FB0];
	_ =	sdelay $0x3  }
0x36: {  	p1 =	seq.s32 s10, $0x1;
	s10 =	sld [smem:$0x3FB1];
	_ =	sdelay $0x3  }
0x37: {  	[smem:$0x3FB1] =	sst s10  }
0x38: {  	s10 =	sld [smem:$0x3FB2]  }
0x39: {  	_ = 	snop;
	(pc) =	sbr.ind lr, $3  }
0x3a: {  	_ = 	snop  }
0x3b: {  	_ = 	snop  }
0x3c: {  	p2 =	seq.s32 s10, $0x1;
	s10 =	sld [smem:$0x3FB1]  }
0x3d: {  	_ =	shalt  }
0x3e: {  	_ =	shalt  }
0x3f: {  	_ =	shalt  }
0x40: {  	_ =	shalt  }
0x41: {  	_ =	shalt  }
0x42: {  	_ =	shalt  }
0x43: {  	_ =	shalt  }
0x44: {  	_ =	shalt  }
0x45: {  	_ =	shalt  }
0x46: {  	_ =	shalt  }
0x47: {  	_ =	shalt  }
0x48: {  	_ =	shalt  }
0x49: {  	_ =	shalt  }
0x4a: {  	_ =	shalt  }
0x4b: {  	_ =	shalt  }
0x4c: {  	_ =	shalt  }
0x4d: {  	_ =	shalt  }
0x4e: {  	_ =	shalt  }
0x4f: {  	_ =	shalt  }
0x50: {  	_ =	shalt  }
0x51: {  	_ =	shalt  }
0x52: {  	_ =	shalt  }
0x53: {  	_ =	shalt  }
0x54: {  	_ =	shalt  }
0x55: {  	_ =	shalt  }
0x56: {  	_ =	shalt  }
0x57: {  	_ =	shalt  }
0x58: {  	_ =	shalt  }
0x59: {  	_ =	shalt  }
0x5a: {  	_ =	shalt  }
0x5b: {  	_ =	shalt  }
0x5c: {  	_ =	shalt  }
0x5d: {  	_ =	shalt  }
0x5e: {  	_ =	shalt  }
0x5f: {  	_ =	shalt  }
0x60: {  	_ =	shalt  }
0x61: {  	_ =	shalt  }
0x62: {  	_ =	shalt  }
0x63: {  	_ =	shalt  }
0x64: {  	_ =	shalt  }
0x65: {  	_ =	shalt  }
0x66: {  	_ =	shalt  }
0x67: {  	_ =	shalt  }
0x68: {  	_ =	shalt  }
0x69: {  	_ =	shalt  }
0x6a: {  	_ =	shalt  }
0x6b: {  	_ =	shalt  }
0x6c: {  	_ =	shalt  }
0x6d: {  	_ =	shalt  }
0x6e: {  	_ =	shalt  }
0x6f: {  	_ =	shalt  }
0x70: {  	_ =	shalt  }
0x71: {  	_ =	shalt  }
0x72: {  	_ =	shalt  }
0x73: {  	_ =	shalt  }
0x74: {  	_ =	shalt  }
0x75: {  	_ =	shalt  }
0x76: {  	_ =	shalt  }
0x77: {  	_ =	shalt  }
0x78: {  	_ =	shalt  }
0x79: {  	_ =	shalt  }
0x7a: {  	_ =	shalt  }
0x7b: {  	_ =	shalt  }
0x7c: {  	_ =	shalt  }
0x7d: {  	_ =	shalt  }
0x7e: {  	_ =	shalt  }
0x7f: {  	_ =	shalt  }
0x80: {  	_ =	shalt  }
0x81: {  	_ =	shalt  }
0x82: {  	_ =	shalt  }
0x83: {  	_ =	shalt  }
0x84: {  	_ =	shalt  }
0x85: {  	_ =	shalt  }
0x86: {  	_ =	shalt  }
0x87: {  	_ =	shalt  }
.Lfunc_end0:
.L_simem_size_0:
called_computation.1_lowered:
.L_overlay_start_0:
0x88: {  	s2 =	sld [smem:$0x3FD9]  }
0x89: {  	s3 =	sld [smem:$0x3FFE];
	_ =	sdelay $0x1  }
0x8a: {  	s1 =	srdreg.scid  }
0x8b: {  	s0 =	sand.u32 $0x1, s1  }
0x8c: {  	s14 =	sshll.u32 s0, $0xA;
	s2 =	sadd.s32 s3, s2  }
0x8d: {  	s2 =	sadd.s32 s2, s14  }
0x8e: {  	[smem:$0x3FBD] =	sst s2  }
0x8f: {  	_ = 	snop  }
0x90: {  	s2 =	sld [smem:$0x3FD0];
	_ =	sdelay $0x2  }
0x91: {  	s15 =	simm.s32 $0xA;
	s4 =	simm.s32 $0x10  }
0x92: {  	[smem:s4], [sflag:s15] =	dma.local [hbm:s2], $0x1  }
0x93: {  	_ =	swait.eq [sflag:s15], $0x1  }
0x94: {  	[sflag:s15] =	ssyncset.done $0x0  }
0x95: {  	[sflag:s15] =	ssyncadd.s32 $0xFFFFFFFF  }
0x96: {  	s16 =	sld [smem:$0x10];
	(tm) =	ssettm $0x1  }
0x97: {  	s17 =	sld [smem:$0x3FFB];
	_ =	sdelay $0x3  }
0x98: {  	_ =	strace s17  }
0x99: {  	s3 =	sld [smem:$0x3FFC];
	_ =	sdelay $0x3  }
0x9a: {  	_ =	strace s3  }
0x9b: {  	s3 =	sld [smem:$0x3FFD];
	_ =	sdelay $0x3  }
0x9c: {  	_ =	strace s3  }
0x9d: {  	_ =	strace $0x8FFFFFFF  }
0x9e: {  	s18 =	sld [smem:$0x3FDB];
	_ =	sdelay $0x1  }
0x9f: {  	s19 =	simm.s32 $_scs_section_size  }
0xa0: {  	s5 =	simm.s32 $_size__tile_overlayer_lowered;
	s6 =	simm.s32 $_tile_overlayer_lowered  }
0xa1: {  	s22 =	simm.s32 $0x1BFF;
	s21 =	sshll.u32 s6, $0x1;
	s3 =	sadd.s32 s19, s18  }
0xa2: {  	s7 =	simm.s32 $0x0;
	s20 =	sshll.u32 s5, $0x1;
	s5 =	sadd.s32 s21, s3  }
0xa3: {  	[timem:s7], [sflag:s22] =	dma.local [hbm:s5], s20  }
0xa4: {  	_ =	swait.ge [sflag:s22], s20  }
0xa5: {  	s4 =	ssub.s32 $0x0, s20;
	[sflag:s22] =	ssyncset.done $0x0  }
0xa6: {  	[sflag:s22] =	ssyncadd.s32 s4;
	_ =	sdelay $0x1  }
0xa7: {  	s23 =	simm.s32 $0x1B8B  }
0xa8: {  	_ =	swait.ge [sflag:s23], $0x1  }
0xa9: {  	[sflag:s23] =	ssyncset.done $0x0  }
0xaa: {  	s25 =	simm.s32 $0x1B8E;
	s24 =	sld [smem:$0x3FFE];
	[sflag:s23] =	ssyncadd.s32 $0xFFFFFFFF  }
0xab: {  	s26 =	simm.s32 $execute0_lowered;
	[smem:$0x3FD2] =	sst s25  }
0xac: {  	s5 =	sshll.u32 s26, $0x1;
	_ =	strace $0x80000050;
	[dreg:$0x1] =	wrdreg $0xFFFFFFFF  }
0xad: {  	s28 =	simm.s32 $_size_execute0_lowered;
	s3 =	sadd.s32 s3, s5;
	[dreg:$0x0] =	wrdreg $0x0  }
0xae: {  	s5 =	sshll.u32 s28, $0x1;
	[dreg:$0x2] =	wrdreg s3  }
0xaf: {  	[dreg:$0x3] =	wrdreg s5  }
0xb0: {  	[dreg:$0x4] =	wrdreg $0xC0  }
0xb1: {  	_ =	task [dreg:s7], $0x5FFFF  }
0xb2: {  	[dreg:$0x1] =	wrdreg $0xFFFFFFFF  }
0xb3: {  	[dreg:$0x0] =	wrdreg $0x60  }
0xb4: {  	[dreg:$0x2] =	wrdreg s16  }
0xb5: {  	[dreg:$0x3] =	wrdreg s24  }
0xb6: {  	[dreg:$0x4] =	wrdreg $0x9  }
0xb7: {  	_ =	task.clear_ibuf [dreg:s7], $0x5FFFF;
	_ =	strace $0x90000050  }
0xb8: {  	s29 =	simm.s32 $0x9;
	_ =	strace $0x80000059  }
0xb9: {  	_ =	swait.ge [sflag:s29], $0x1  }
0xba: {  	[sflag:s29] =	ssyncadd.s32 $0xFFFFFFFF  }
0xbb: {  	_ =	strace $0x90000059  }
0xbc: {  	_ =	sfence  }
0xbd: {  	s30 =	sld [smem:$0x0];
	_ =	sdelay $0x2  }
0xbe: {  	s31 =	sshll.u32 s1, $0xD;
	s1 =	sshrl.u32 s1, $0x2  }
0xbf: {  	s3 =	sand.u32 $0x4000, s31;
	s1 =	sadd.s32 s1, s30  }
0xc0: {  	s0 =	sor.u32 s3, s0;
	s1 =	sshll.u32 s1, $0x11  }
0xc1: {  	s0 =	sor.u32 s1, s0  }
0xc2: {  	s0 =	sadd.s32 $0x8F2B, s0  }
0xc3: {  	[sflag:s0] =	ssyncadd.remote.s32 $0x1  }
0xc4: {  	_ =	sfence.sel $0xFFFF  }
0xc5: {  	[dreg:$0x0] =	wrdreg $0xFFFFFFFF;
	(pc) =	sbr.abs _section_cstart, $3  }
0xc6: {  	[dreg:$0x1] =	wrdreg $0xFFFFFFFF  }
0xc7: {  	_ =	task.clear_ibuf [dreg:s7], $0x2FFFF;
	_ =	strace $0x9FFFFFFF  }
0xc8: {  	(tm) =	ssettm $0x7FFFFFFF  }
0xc9: {  	_ =	shalt  }
tec
execute0_lowered:
.L_overlay_start_1:
0x0: {  	(tag) =	ssettag $0x1  }
0x1: {  	s1 =	rddreg [dreg:$0x0]  }
0x2: {  	s0 =	srdreg.scid;
	s5 =	rddreg [dreg:$0x1]  }
0x3: {  	s2 =	simm.s32 $0x0;
	s4 =	sand.u32 $0x1, s0;
	[dreg:$0x3] =	wrdreg s1  }
0x4: {  	s0 =	stileid.u32;
	s1 =	rddreg [dreg:$0x2];
	s28 =	sshll.u32 s4, $0x4  }
0x5: {  	s31 =	simm.s32 $0x80;
	[smem:$0x7FF] =	sst s2;
	s6 =	sor.u32 s0, s28  }
0x6: {  	s3 =	sadd.s32 $0x4000, s5;
	s5 =	sadd.s32 $0x9E0E00, s5;
	s7 =	smul.u32 $0x2780, s6  }
0x7: {  	_ =	strace $0x80000051;
	[dreg:$0x5] =	wrdreg s5;
	s8 =	smul.u32 $0x380, s6  }
0x8: {  	s10 =	simm.s32 $0x0;
	s4 =	ssub.s32 $0x2, s4;
	[dreg:$0x4] =	wrdreg s31  }
0x9: {  	s9 =	sshrl.u32 s4, $0x1;
	s7 =	sand.u32 $0x7FC00, s7;
	s8 =	sand.u32 $0x380, s8  }
0xa: {  	s29 =	ssub.s32 s4, s9;
	s4 =	smul.u32 $0x4F, s6;
	s7 =	sor.u32 s8, s7  }
0xb: {  	s9 =	simm.s32 $0x3;
	s6 =	smax.u32 s29, $0x1;
	s30 =	sshrl.u32 s7, $0x3  }
0xc: {  	s8 =	simm.s32 $0x5;
	s7 =	simm.s32 $0x1;
	s5 =	sadd.s32 s3, s30  }
.LBB2_1:
0xd: {  	_ =	strace $0x80000052;
	s11 =	simm.s32 $0x1;
	p0 =	por $0x0, $0x0  }
0xe: {  	[tilespmem:s2], [sflag:$0x1] =	stream.linear.gather [hbm4b:s5+s2], $0x80, $0x200038;
	[tilespmem:$0x8100] =	vst v63  }
0xf: {  	s11 =	simm.s32 @p0 $0x0  }
0x10: {  	p4 =	por $0x1, $0x1;
	s20 =	sand.u32 $0x1, s2;
	p1 =	sne.s32 s11, $0x0  }
0x11: {  	p2 =	por $0x1, $0x1;
	s17 =	simm.s32 $0x4D;
	p0 =	por !p4, !p1  }
0x12: {  	s16 =	simm.s32 $0x0;
	p5 =	por $0x0, $0x0;
	p0 =	por !p0, !p0  }
0x13: {  	s23 =	sadd.s32 $0x0, s4;
	s30 =	sadd.s32 $0x1, s20;
	s12 =	sadd.s32 @p0 s4, s11  }
0x14: {  	_ =	strace $0x90000052;
	s13 =	sand.u32 @p0 $0x1, s7;
	s12 =	sshll.u32 @p0 s12, $0x4  }
0x15: {  	_ =	strace @p0 $0x80000053;
	s15 =	simm.s32 @p0 $0x0;
	s12 =	sand.u32 @p0 $0x1FFFFFF0, s12  }
0x16: {  	s14 =	sshll.u32 @p0 s13, $0x7;
	s13 =	sadd.s32 @p0 $0x1, s13;
	s12 =	sadd.s32 @p0 s3, s12  }
0x17: {  	[tilespmem:s14], [sflag:s13] =	stream.linear.gather @p0 [hbm4b:s12+s15], $0x80, $0x200038;
	[tilespmem:$0x8100] =	vst v63  }
0x18: {  	p3 =	por p2, p2;
	s21 =	sshll.u32 s20, $0xE;
	_ =	strace @p0 $0x90000053  }
0x19: {  	s16 =	sand.u32 $0x80, s16;
	p2 =	por p5, p5;
	_ =	strace $0x80000054  }
0x1a: {  	s18 =	sadd.s32 $0x1, s11;
	s22 =	sor.u32 $0x100, s21;
	_ =	swait.ge [sflag:s30], $0x80  }
0x1b: {  	s21 =	simm.s32 $0x1;
	p6 =	por p1, p1;
	[sflag:s30] =	ssyncset.done $0x0  }
0x1c: {  	p1 =	por p3, p3;
	p4 =	por $0x1, $0x1;
	[sflag:s30] =	ssyncadd.s32 $0xFFFFFF80  }
0x1d: {  	s12 =	simm.s32 $0x4E;
	s15 =	sand.u32 @!p3 $0x1, s2;
	_ =	strace $0x90000054  }
0x1e: {  	s13 =	simm.s32 $0x1;
	p3 =	seq.s32 s18, $0x4F;
	_ =	strace $0x80000055  }
0x1f: {  	s13 =	simm.s32 @!p0 $0x0;
	s18 =	simm.s32 @p3 $0x0;
	s19 =	rddreg [dreg:$0x4]  }
0x20: {  	p0 =	por $0x0, $0x0;
	s14 =	sadd.s32 $0x1, s13;
	s31 =	rddreg [dreg:$0x3]  }
0x21: {  	[tilespmem:s22], [sflag:$0x5] =	stream.indirect.gather [hbm4b:s31+s19], $0x80, s16, s19, $0x2000b8;
	[tilespmem:$0x8100] =	vst v63  }
0x22: {  	p3 =	sne.s32 s11, s18;
	s21 =	simm.s32 @!p0 $0x0;
	_ =	swait.ge [sflag:s8], $0x4000  }
0x23: {  	p5 =	por !p4, !p3;
	p4 =	por $0x0, $0x0;
	[sflag:s8] =	ssyncset.done $0x0  }
0x24: {  	s13 =	simm.s32 $0x0;
	p6 =	por p4, p6;
	[sflag:s8] =	ssyncadd.s32 $0xFFFFC000  }
0x25: {  	s16 =	simm.s32 $0x0;
	s19 =	simm.s32 $0x0;
	_ =	strace $0x90000055  }
.LBB2_2:
0x26: {  	_ =	strace @p6 $0x80000056;
	s13 =	sadd.s32 s21, s13;
	s21 =	smov.u32 s12  }
0x27: {  	s12 =	smov.u32 s17;
	s17 =	sadd.s32 $0xFFFFFFFF, s17;
	p0 =	por p3, p3  }
0x28: {  	s28 =	sshll.u32 @p6 s23, $0xB;
	s20 =	sadd.s32 @p6 $0x3, s20;
	s24 =	simm.s32 @!p0 $0x0  }
0x29: {  	s25 =	rddreg [dreg:$0x5];
	s28 =	sand.u32 @p6 $0x1FFFF800, s28;
	s24 =	simm.s32 @p0 $0x1  }
0x2a: {  	s25 =	sadd.s32 @p6 s25, s28;
	s28 =	simm.s32 @p6 $0x0;
	p0 =	sne.s32 s17, $0x0  }
0x2b: {  	[hbm4b:s25+s28] =	stream.linear.scatter @p6 [tilespmem:s22], [sflag:s20], $0x4000, $0x200038;
	[tilespmem:$0x8100] =	vst v63  }
0x2c: {  	s20 =	sadd.s32 @!p1 $0x3, s15;
	s15 =	simm.s32 @!p0 $0x0  }
0x2d: {  	s26 =	simm.s32 $0x1;
	[smem:$0x7FC] =	sst s24;
	s15 =	simm.s32 @p0 $0x1  }
0x2e: {  	s26 =	simm.s32 @!p6 $0x0;
	_ =	strace @p6 $0x90000056;
	[smem:$0x7FD] =	sst s15  }
0x2f: {  	p5 =	por !p5, !p5;
	s19 =	sadd.s32 s26, s19;
	_ =	strace @!p1 $0x80000057  }
0x30: {  	s24 =	sand.u32 @!p2 $0x1, s13;
	s22 =	sadd.s32 @p5 s4, s18;
	_ =	swait.ge @!p1 [sflag:s20], $0x4000  }
0x31: {  	s22 =	sshll.u32 @p5 s22, $0x4;
	s15 =	smov.u32 s24;
	[sflag:s20] =	ssyncset.done @!p1 $0x0  }
0x32: {  	s24 =	sand.u32 @p5 $0x1, s14;
	s22 =	sand.u32 @p5 $0x1FFFFFF0, s22;
	[sflag:s20] =	ssyncadd.s32 @!p1 $0xFFFFC000  }
0x33: {  	s25 =	sshll.u32 @p5 s24, $0x7;
	s22 =	sadd.s32 @p5 s3, s22;
	_ =	strace @!p1 $0x90000057  }
0x34: {  	s20 =	sadd.s32 @p5 $0x1, s24;
	s24 =	simm.s32 @p5 $0x0;
	_ =	strace @p5 $0x80000053  }
0x35: {  	[tilespmem:s25], [sflag:s20] =	stream.linear.gather @p5 [hbm4b:s22+s24], $0x80, $0x200038;
	[tilespmem:$0x8100] =	vst v63  }
0x36: {  	s16 =	sadd.s32 s26, s16;
	s26 =	sand.u32 $0x1, s19;
	_ =	strace @p5 $0x90000053  }
0x37: {  	s24 =	sadd.s32 $0x1, s26;
	_ =	strace $0x80000054  }
0x38: {  	_ =	swait.ge [sflag:s24], $0x80  }
0x39: {  	[sflag:s24] =	ssyncset.done $0x0  }
0x3a: {  	s20 =	simm.s32 $0x1;
	[sflag:s24] =	ssyncadd.s32 $0xFFFFFF80  }
0x3b: {  	s20 =	simm.s32 @!p5 $0x0;
	_ =	strace $0x90000054  }
0x3c: {  	s14 =	sadd.s32 s20, s14;
	s20 =	sand.u32 $0x1, s16;
	_ =	strace $0x80000055  }
0x3d: {  	s29 =	sshll.u32 s19, $0x7;
	s25 =	sshll.u32 s20, $0xE;
	s26 =	rddreg [dreg:$0x4]  }
0x3e: {  	s29 =	sand.u32 $0x80, s29;
	s22 =	sor.u32 $0x100, s25;
	s30 =	rddreg [dreg:$0x3]  }
0x3f: {  	[tilespmem:s22], [sflag:$0x5] =	stream.indirect.gather [hbm4b:s30+s26], $0x80, s29, s26, $0x2000b8;
	[tilespmem:$0x8100] =	vst v63  }
0x40: {  	_ =	swait.ge [sflag:s8], $0x4000  }
0x41: {  	s31 =	sadd.s32 $0x1, s18;
	[sflag:s8] =	ssyncset.done $0x0  }
0x42: {  	s23 =	sadd.s32 s4, s11;
	s11 =	smov.u32 s18;
	[sflag:s8] =	ssyncadd.s32 $0xFFFFC000  }
0x43: {  	p3 =	seq.s32 s31, $0x4F;
	s18 =	smov.u32 s31;
	_ =	strace $0x90000055  }
0x44: {  	s18 =	simm.s32 @p3 $0x0;
	s31 =	sld [smem:$0x7FD]  }
0x45: {  	p6 =	sne.s32 s12, $0x1;
	p0 =	sne.s32 s21, $0x4F;
	p3 =	sne.s32 s11, s18  }
0x46: {  	p5 =	por !p6, !p3;
	p6 =	seq.s32 s21, $0x1;
	s21 =	simm.s32 $0x1  }
0x47: {  	s21 =	simm.s32 @!p0 $0x0;
	p0 =	seq.s32 s31, $0x1  }
.Ltmp0:
0x48: {  	s30 =	sld [smem:$0x7FC];
	(pc) =	sbr.rel @p0 .LBB2_2-.Ltmp0, $4  }
0x49: {  	_ = 	snop  }
0x4a: {  	p4 =	seq.s32 s12, $0x4F  }
0x4b: {  	p1 =	por p2, p2;
	p2 =	por p4, p4;
	p4 =	seq.s32 s30, $0x1  }
0x4c: {  	p6 =	por p6, p4  }
0x4d: {  	_ =	strace @p6 $0x80000056;
	s23 =	sshll.u32 @p6 s23, $0xB  }
0x4e: {  	s17 =	rddreg [dreg:$0x5];
	s23 =	sand.u32 @p6 $0x1FFFF800, s23  }
0x4f: {  	s20 =	sadd.s32 @p6 $0x3, s20;
	s17 =	sadd.s32 @p6 s17, s23;
	s23 =	simm.s32 @p6 $0x0  }
0x50: {  	[hbm4b:s17+s23] =	stream.linear.scatter @p6 [tilespmem:s22], [sflag:s20], $0x4000, $0x200038;
	[tilespmem:$0x8100] =	vst v63  }
0x51: {  	p0 =	por !p5, !p5;
	_ =	strace @p6 $0x90000056  }
0x52: {  	s15 =	sadd.s32 @!p1 $0x3, s15;
	s18 =	sadd.s32 @p0 s4, s18;
	_ =	strace @!p1 $0x80000057  }
0x53: {  	s14 =	sand.u32 @p0 $0x1, s14;
	s18 =	sshll.u32 @p0 s18, $0x4;
	_ =	swait.ge @!p1 [sflag:s15], $0x4000  }
0x54: {  	s17 =	simm.s32 $0x1;
	s20 =	sshll.u32 @p0 s14, $0x7;
	[sflag:s15] =	ssyncset.done @!p1 $0x0  }
0x55: {  	s14 =	sadd.s32 @p0 $0x1, s14;
	s17 =	simm.s32 @!p6 $0x0;
	[sflag:s15] =	ssyncadd.s32 @!p1 $0xFFFFC000  }
0x56: {  	s19 =	sadd.s32 s17, s19;
	s15 =	sand.u32 @p0 $0x1FFFFFF0, s18;
	_ =	strace @!p1 $0x90000057  }
0x57: {  	s18 =	simm.s32 @p0 $0x0;
	s15 =	sadd.s32 @p0 s3, s15;
	_ =	strace @p0 $0x80000053  }
0x58: {  	[tilespmem:s20], [sflag:s14] =	stream.linear.gather @p0 [hbm4b:s15+s18], $0x80, $0x200038;
	[tilespmem:$0x8100] =	vst v63  }
0x59: {  	s25 =	sand.u32 $0x1, s19;
	_ =	strace @p0 $0x90000053  }
0x5a: {  	s14 =	sadd.s32 $0x1, s25;
	_ =	strace $0x80000054  }
0x5b: {  	_ =	swait.ge [sflag:s14], $0x80  }
0x5c: {  	[sflag:s14] =	ssyncset.done $0x0  }
0x5d: {  	[sflag:s14] =	ssyncadd.s32 $0xFFFFFF80  }
0x5e: {  	s26 =	sadd.s32 s17, s16;
	_ =	strace $0x90000054  }
0x5f: {  	s14 =	sand.u32 $0x1, s26;
	_ =	strace $0x80000055  }
0x60: {  	s30 =	sshll.u32 s19, $0x7;
	s31 =	sshll.u32 s14, $0xE;
	s28 =	rddreg [dreg:$0x4]  }
0x61: {  	s17 =	sand.u32 $0x80, s30;
	s18 =	sor.u32 $0x100, s31;
	s29 =	rddreg [dreg:$0x3]  }
0x62: {  	[tilespmem:s18], [sflag:$0x5] =	stream.indirect.gather [hbm4b:s29+s28], $0x80, s17, s28, $0x2000b8;
	[tilespmem:$0x8100] =	vst v63  }
0x63: {  	_ =	swait.ge [sflag:s8], $0x4000  }
0x64: {  	[sflag:s8] =	ssyncset.done $0x0  }
0x65: {  	p5 =	por p3, p3;
	p6 =	seq.s32 s12, $0x1;
	[sflag:s8] =	ssyncadd.s32 $0xFFFFC000  }
0x66: {  	s11 =	sadd.s32 s4, s11;
	p0 =	por p6, p5;
	_ =	strace $0x90000055  }
0x67: {  	s11 =	sshll.u32 @p0 s11, $0xB;
	_ =	strace @p0 $0x80000056  }
0x68: {  	s13 =	sadd.s32 s21, s13;
	s11 =	sand.u32 @p0 $0x1FFFF800, s11;
	s12 =	rddreg [dreg:$0x5]  }
0x69: {  	s14 =	sadd.s32 @p0 $0x3, s14;
	s11 =	sadd.s32 @p0 s12, s11;
	s12 =	simm.s32 @p0 $0x0  }
0x6a: {  	[hbm4b:s11+s12] =	stream.linear.scatter @p0 [tilespmem:s18], [sflag:s14], $0x4000, $0x200038;
	[tilespmem:$0x8100] =	vst v63  }
0x6b: {  	p1 =	por p2, p2;
	s11 =	sand.u32 @!p2 $0x1, s13;
	_ =	strace @p0 $0x90000056  }
0x6c: {  	s11 =	sadd.s32 @!p1 $0x3, s11;
	_ =	strace @!p1 $0x80000057  }
0x6d: {  	_ =	swait.ge @!p1 [sflag:s11], $0x4000  }
0x6e: {  	[sflag:s11] =	ssyncset.done @!p1 $0x0  }
0x6f: {  	s10 =	sadd.s32 $0x1, s10;
	[sflag:s11] =	ssyncadd.s32 @!p1 $0xFFFFC000  }
0x70: {  	p0 =	sne.s32 s10, s6;
	_ =	strace @!p1 $0x90000057  }
.Ltmp1:
0x71: {  	_ =	strace $0x80000058;
	(pc) =	sbr.rel @p0 .LBB2_1-.Ltmp1, $4  }
0x72: {  	_ =	swait.ge [sflag:s9], $0x4000  }
0x73: {  	[sflag:s9] =	ssyncset.done $0x0  }
0x74: {  	[sflag:s9] =	ssyncadd.s32 $0xFFFFC000  }
0x75: {  	_ =	strace $0x90000058  }
0x76: {  	_ =	sfence.sel $0x180000  }
0x77: {  	[bflag:$0x0] =	sbarrier.arrive $0xFFFF  }
0x78: {  	p0 =	sne.s32 s0, $0x0;
	_ =	strace $0x90000051  }
0x79: {  	s0 =	sadd.s32 @!p0 $0x100000, s1;
	[bflag:$0x2] =	sbarrier.arrive $0xFFFF  }
0x7a: {  	[sflag:s0] =	ssyncadd.tile.s32 @!p0 $0x1;
	_ =	shalt  }
.Lfunc_end2:
_tile_overlayer_lowered:
.L_overlay_start_2:
0x7b: {  	(tag) =	ssettag $0x2  }
0x7c: {  	s0 =	rddreg [dreg:$0x0];
	s2 =	stileid.u32  }
0x7d: {  	s1 =	rddreg [dreg:$0x1];
	p0 =	sne.s32 s2, $0x0  }
0x7e: {  	s3 =	rddreg [dreg:$0x2];
	[bflag:$0x3] =	sbarrier.arrive $0xFFFF;
	s2 =	simm.s32 @!p0 $0x1C01  }
0x7f: {  	[timem:s3], [sflag:s2] =	dma.local @!p0 [hbm:s0], s1  }
0x80: {  	s0 =	simm.s32 @!p0 $0x1  }
0x81: {  	_ =	swait.ge @!p0 [sflag:s0], s1  }
0x82: {  	s1 =	ssub.s32 @!p0 $0x0, s1;
	[sflag:s0] =	ssyncset.done @!p0 $0x0  }
0x83: {  	[sflag:s0] =	ssyncadd.s32 @!p0 s1  }
0x84: {  	[bflag:$0x3] =	sbarrier.arrive $0xFFFF  }
0x85: {  	_ =	shalt  }

</sc_bundles>
